<compile_context>
chip_gen: v7x
topology: tpu7x:2x2x1
jax: 0.10.2.dev20260603
libtpu: 0.0.44.dev20260713+nightly
codegen_flags: <defaults>
</compile_context>

<pallas_src>
import functools

import jax
import jax.numpy as jnp
from jax import lax
from jax.experimental import pallas as pl
from jax.experimental.pallas import tpu as pltpu
from jax.experimental.pallas import tpu_sc as plsc


def _stage1_body(x_ref, bases_ref, comp_ref, root_ref, bias_ref,
                 y_ref, z_ref):
    r = pl.program_id(0)
    nb = bases_ref.shape[0]
    w = comp_ref[r, 0] * bases_ref[0]
    for b in range(1, nb):
        w = w + comp_ref[r, b] * bases_ref[b]
    y_ref[0] = jnp.dot(x_ref[:], w, preferred_element_type=jnp.float32)

    @pl.when(r == 0)
    def _():
        z_ref[:] = (jnp.dot(x_ref[:], root_ref[:],
                            preferred_element_type=jnp.float32)
                    + bias_ref[0])


def _stage3_body(agg_ref, deg_ref, z_ref, out_ref):
    a = agg_ref[0] + agg_ref[1]
    nw = deg_ref.shape[0]
    d = lax.dot_general(deg_ref[:], jnp.ones((nw, 1), jnp.float32),
                        (((0,), (0,)), ((), ())),
                        preferred_element_type=jnp.float32)
    out_ref[:] = a / jnp.maximum(d, 1.0) + z_ref[:]


def _make_sc_kernel(n_nodes, d_model, n_edges):
    info = plsc.get_sparse_core_info()
    nc, ns, lanes = info.num_cores, info.num_subcores, info.num_lanes
    nw = nc * ns
    epw = n_edges // nw
    assert epw * nw == n_edges
    chunk = 80
    nchunk = epw // chunk
    assert nchunk * chunk == epw
    nrow_blocks = n_nodes // chunk
    assert nrow_blocks * chunk == n_nodes

    mesh = plsc.VectorSubcoreMesh(core_axis_name="c", subcore_axis_name="s")

    @functools.partial(
        pl.kernel,
        out_type=(
            jax.ShapeDtypeStruct((nw * nchunk, chunk), jnp.int32),
            jax.ShapeDtypeStruct((nw * nchunk, chunk), jnp.int32),
            jax.ShapeDtypeStruct((nw, n_nodes), jnp.float32),
        ),
        mesh=mesh,
        compiler_params=pltpu.CompilerParams(needs_layout_passes=False,
                                             use_tc_tiling_on_sc=False),
        scratch_types=[
            pltpu.VMEM((epw,), jnp.int32),
            pltpu.VMEM((epw,), jnp.int32),
            pltpu.VMEM((epw,), jnp.int32),
            pltpu.VMEM((nchunk, chunk), jnp.int32),
            pltpu.VMEM((nchunk, chunk), jnp.int32),
            pltpu.VMEM((n_nodes,), jnp.float32),
            pltpu.SemaphoreType.DMA,
        ],
    )
    def prep_kernel(ei_hbm, et_hbm, gidx2_out, dst2_out, deg_out,
                    srcb, etb, dstb, g2, d2, deg_t, semi):
        cid = lax.axis_index("c")
        sid = lax.axis_index("s")
        wid = sid * nc + cid
        zero = jnp.zeros((lanes,), jnp.float32)
        one = jnp.ones((lanes,), jnp.float32)
        ngrp_row = chunk // lanes

        pltpu.async_copy(ei_hbm.at[0, pl.ds(wid * epw, epw)], srcb, semi)
        pltpu.async_copy(et_hbm.at[pl.ds(wid * epw, epw)], etb, semi)
        pltpu.async_copy(ei_hbm.at[1, pl.ds(wid * epw, epw)], dstb, semi)

        def deg_zero(i, _):
            deg_t[pl.ds(i * lanes, lanes)] = zero
            return 0

        lax.fori_loop(0, n_nodes // lanes, deg_zero, 0)
        pltpu.make_async_copy(ei_hbm.at[0, pl.ds(0, epw)], srcb, semi).wait()
        pltpu.make_async_copy(et_hbm.at[pl.ds(0, epw)], etb, semi).wait()
        pltpu.make_async_copy(ei_hbm.at[1, pl.ds(0, epw)], dstb, semi).wait()

        def prep(g, _):
            c = g // ngrp_row
            j = g % ngrp_row
            col = j * lanes
            sv = srcb[pl.ds(g * lanes, lanes)]
            tv = etb[pl.ds(g * lanes, lanes)]
            dv = dstb[pl.ds(g * lanes, lanes)]
            g2[c, pl.ds(col, lanes)] = tv * n_nodes + sv
            d2[c, pl.ds(col, lanes)] = dv
            plsc.addupdate_scatter(deg_t, [dv], one)
            return 0

        lax.fori_loop(0, nchunk * ngrp_row, prep, 0)
        pltpu.async_copy(g2, gidx2_out.at[pl.ds(wid * nchunk, nchunk)], semi)
        pltpu.async_copy(d2, dst2_out.at[pl.ds(wid * nchunk, nchunk)], semi)
        pltpu.sync_copy(deg_t, deg_out.at[wid])
        pltpu.make_async_copy(
            g2, gidx2_out.at[pl.ds(0, nchunk)], semi).wait()
        pltpu.make_async_copy(
            d2, dst2_out.at[pl.ds(0, nchunk)], semi).wait()

    @functools.partial(
        pl.kernel,
        out_type=jax.ShapeDtypeStruct((nc, n_nodes, d_model), jnp.float32),
        mesh=mesh,
        compiler_params=pltpu.CompilerParams(needs_layout_passes=False,
                                             use_tc_tiling_on_sc=False),
        scratch_types=[
            pltpu.VMEM((nchunk, chunk), jnp.int32),
            pltpu.VMEM((nchunk, chunk), jnp.int32),
            pltpu.VMEM((chunk, d_model), jnp.float32),
            pltpu.VMEM((chunk, d_model), jnp.float32),
            pltpu.VMEM((chunk, d_model), jnp.float32),
            pltpu.VMEM_SHARED((n_nodes, d_model), jnp.float32),
            pltpu.SemaphoreType.DMA,
            pltpu.SemaphoreType.DMA,
            pltpu.SemaphoreType.DMA,
            pltpu.SemaphoreType.DMA,
            pltpu.SemaphoreType.DMA,
            pltpu.SemaphoreType.DMA,
            pltpu.SemaphoreType.DMA,
            pltpu.SemaphoreType.DMA,
        ],
    )
    def sc_kernel(y_hbm, gidx_hbm, dst_hbm, agg_out,
                  gblk, dblk, rows0, rows1, rows2, agg_s,
                  semi, semz, semg0, semg1, semg2,
                  sems0, sems1, sems2):
        cid = lax.axis_index("c")
        sid = lax.axis_index("s")
        wid = sid * nc + cid

        zero = jnp.zeros((lanes,), jnp.float32)
        nbuf = 3
        rows = (rows0, rows1, rows2)
        semg = (semg0, semg1, semg2)
        sems = (sems0, sems1, sems2)
        nzb = (nrow_blocks + ns - 1) // ns

        pltpu.async_copy(gidx_hbm.at[pl.ds(wid * nchunk, nchunk)], gblk, semi)
        pltpu.async_copy(dst_hbm.at[pl.ds(wid * nchunk, nchunk)], dblk, semi)

        def init_body(i, _):
            r = i // (d_model // lanes)
            c = i % (d_model // lanes)
            rows0[r, pl.ds(c * lanes, lanes)] = zero
            return 0

        lax.fori_loop(0, chunk * (d_model // lanes), init_body, 0)

        def zero_blocks(k, _):
            blk = k * ns + sid

            @pl.when(blk < nrow_blocks)
            def _():
                pltpu.async_copy(rows0, agg_s.at[pl.ds(blk * chunk, chunk)],
                                 semz)
            return 0

        def zero_drain(k, _):
            blk = k * ns + sid

            @pl.when(blk < nrow_blocks)
            def _():
                pltpu.make_async_copy(
                    rows0, agg_s.at[pl.ds(blk * chunk, chunk)], semz).wait()
            return 0

        lax.fori_loop(0, nzb, zero_blocks, 0)
        lax.fori_loop(0, nzb, zero_drain, 0)
        pltpu.make_async_copy(gidx_hbm.at[pl.ds(0, nchunk)], gblk, semi).wait()
        pltpu.make_async_copy(dst_hbm.at[pl.ds(0, nchunk)], dblk, semi).wait()
        plsc.subcore_barrier()

        for b in range(nbuf):
            pltpu.async_copy(y_hbm.at[gblk.at[b]], rows[b], semg[b])

        def edge_quad(i, _):
            for b in range(nbuf):
                c = nbuf * i + b
                pltpu.make_async_copy(y_hbm.at[gblk.at[c]], rows[b],
                                      semg[b]).wait()
                pltpu.async_copy(rows[b], agg_s.at[dblk.at[c]],
                                 sems[b], add=True)
                pltpu.make_async_copy(rows[b], agg_s.at[dblk.at[c]],
                                      sems[b]).wait()

                @pl.when(c + nbuf < nchunk)
                def _():
                    pltpu.async_copy(y_hbm.at[gblk.at[c + nbuf]], rows[b],
                                     semg[b])
            return 0

        lax.fori_loop(0, nchunk // nbuf, edge_quad, 0)
        for c_last in range((nchunk // nbuf) * nbuf, nchunk):
            b = c_last % nbuf
            pltpu.make_async_copy(y_hbm.at[gblk.at[c_last]], rows[b],
                                  semg[b]).wait()
            pltpu.sync_copy(rows[b], agg_s.at[dblk.at[c_last]], add=True)

        plsc.subcore_barrier()

        def out_blocks(k, _):
            blk = k * ns + sid

            @pl.when(blk < nrow_blocks)
            def _():
                r0 = blk * chunk
                pltpu.async_copy(agg_s.at[pl.ds(r0, chunk)],
                                 agg_out.at[cid, pl.ds(r0, chunk)], semz)
            return 0

        def out_drain(k, _):
            blk = k * ns + sid

            @pl.when(blk < nrow_blocks)
            def _():
                r0 = blk * chunk
                pltpu.make_async_copy(agg_s.at[pl.ds(r0, chunk)],
                                      agg_out.at[cid, pl.ds(r0, chunk)],
                                      semz).wait()
            return 0

        lax.fori_loop(0, nzb, out_blocks, 0)
        lax.fori_loop(0, nzb, out_drain, 0)

    return prep_kernel, sc_kernel


def kernel(edge_index, edge_type, embeddings, bases, comp, root, bias):
    n, d = embeddings.shape
    r_rel, b_bases = comp.shape
    e = edge_type.shape[0]

    prep_kernel, sc_kernel = _make_sc_kernel(n, d, e)
    gidx2, dst2, deg_p = prep_kernel(edge_index.astype(jnp.int32),
                                     edge_type.astype(jnp.int32))

    y, z = pl.pallas_call(
        _stage1_body,
        grid=(r_rel,),
        in_specs=[
            pl.BlockSpec((n, d), lambda r: (0, 0)),
            pl.BlockSpec((b_bases, d, d), lambda r: (0, 0, 0)),
            pl.BlockSpec(memory_space=pltpu.SMEM),
            pl.BlockSpec((d, d), lambda r: (0, 0)),
            pl.BlockSpec((1, d), lambda r: (0, 0)),
        ],
        out_specs=[
            pl.BlockSpec((1, n, d), lambda r: (r, 0, 0)),
            pl.BlockSpec((n, d), lambda r: (0, 0)),
        ],
        out_shape=[
            jax.ShapeDtypeStruct((r_rel, n, d), jnp.float32),
            jax.ShapeDtypeStruct((n, d), jnp.float32),
        ],
    )(embeddings, bases, comp, root, bias.reshape(1, d))

    y_flat = y.reshape(r_rel * n, d)

    agg_p = sc_kernel(y_flat, gidx2, dst2)

    out = pl.pallas_call(
        _stage3_body,
        in_specs=[
            pl.BlockSpec(agg_p.shape, lambda: (0, 0, 0)),
            pl.BlockSpec(deg_p.shape, lambda: (0, 0)),
            pl.BlockSpec((n, d), lambda: (0, 0)),
        ],
        out_specs=pl.BlockSpec((n, d), lambda: (0, 0)),
        out_shape=jax.ShapeDtypeStruct((n, d), jnp.float32),
    )(agg_p, deg_p, z)
    return out

# --- scband reference (transcript-rebuilt; emitter-appended) ---
"""Pipeline reference for scband-node-rgcn-39668317946546 (READ-ONLY COPY).

The authoritative reference and input builder live on the scoring server;
editing this copy changes nothing except your own understanding.
"""

import jax, jax.numpy as jnp
import numpy as np

N = 10000
E = 320000
D = 128
R = 8
B = 8


def setup_inputs(seed: int = 0) -> dict:
    key = jax.random.key(seed)
    ks = jax.random.split(key, 7)
    edge_index = jax.random.randint(ks[0], (2, E), 0, N)
    edge_type = jax.random.randint(ks[1], (E,), 0, R)
    embeddings = jax.random.normal(ks[2], (N, D), dtype=jnp.float32)
    # RGCNConv basis-decomposition params (num_bases == num_relations here)
    bases = jax.random.normal(ks[3], (B, D, D), dtype=jnp.float32) * 0.05
    comp = jax.random.normal(ks[4], (R, B), dtype=jnp.float32) * 0.05
    root = jax.random.normal(ks[5], (D, D), dtype=jnp.float32) * 0.05
    bias = jnp.zeros((D,), dtype=jnp.float32)
    return {
        "edge_index": edge_index,
        "edge_type": edge_type,
        "embeddings": embeddings,
        "bases": bases,
        "comp": comp,
        "root": root,
        "bias": bias,
    }


def rgcn_conv(x, edge_index, edge_type, bases, comp, root, bias):
    # weight[r] = sum_b comp[r, b] * bases[b]  (basis decomposition)
    W = jnp.einsum("rb,bio->rio", comp, bases)  # [R, D, D]
    src = edge_index[0]
    dst = edge_index[1]
    xj = x[src]  # gather: [E, D]
    n = x.shape[0]
    agg = jnp.zeros((n, W.shape[2]), dtype=x.dtype)
    for r in range(W.shape[0]):
        mask = (edge_type == r).astype(x.dtype)[:, None]
        msg = (xj * mask) @ W[r]  # [E, D]
        agg = agg.at[dst].add(msg)  # scatter-add by dst node
    # mean aggregation over incoming edges (PyG RGCNConv default aggr='mean')
    deg = jnp.zeros((n,), dtype=x.dtype).at[dst].add(jnp.ones((dst.shape[0],), dtype=x.dtype))
    agg = agg / jnp.clip(deg, 1.0)[:, None]
    return agg + x @ root + bias


def reference(edge_index, edge_type, embeddings, bases, comp, root, bias):
    # node_RGCN with num_layers=2: forward applies layers[0] only
    # (loop range(1, num_layers-1) is empty), returns its output.
    return rgcn_conv(embeddings, edge_index, edge_type, bases, comp, root, bias)

if __name__ == "__main__":
    import jax
    _d = setup_inputs()
    print(jax.jit(kernel)(*tuple(_d.values())))

</pallas_src>

<mosaic_0001>
#map = affine_map<(d0, d1) -> (0, 0)>
#map1 = affine_map<(d0, d1) -> (0)>
module attributes {stable_mosaic.version = 14 : i64} {
  func.func @prep_kernel(%arg0: i32, %arg1: i32, %arg2: memref<2x320000xi32, #tpu.memory_space<hbm>>, %arg3: memref<320000xi32, #tpu.memory_space<hbm>>, %arg4: memref<4000x80xi32, #tpu.memory_space<hbm>>, %arg5: memref<4000x80xi32, #tpu.memory_space<hbm>>, %arg6: memref<32x10000xf32, #tpu.memory_space<hbm>>, %arg7: memref<10000xi32, #tpu.memory_space<vmem>>, %arg8: memref<10000xi32, #tpu.memory_space<vmem>>, %arg9: memref<10000xi32, #tpu.memory_space<vmem>>, %arg10: memref<125x80xi32, #tpu.memory_space<vmem>>, %arg11: memref<125x80xi32, #tpu.memory_space<vmem>>, %arg12: memref<10000xf32, #tpu.memory_space<vmem>>, %arg13: memref<!tpu.dma_semaphore, #tpu.memory_space<semaphore_mem>>) attributes {dimension_semantics = [#tpu.dimension_semantics<core_parallel>, #tpu.dimension_semantics<subcore_parallel>], iteration_bounds = array<i64: 2, 16>, scalar_prefetch = 0 : i64, scratch_operands = 7 : i64, tpu.core_type = #tpu.core_type<sc_vector_subcore>, window_params = [{transform_indices = #map}, {transform_indices = #map1}, {transform_indices = #map}, {transform_indices = #map}, {transform_indices = #map}]} {
    %mul3A = arith.constant 2 : i32
    %mul3A_0 = arith.muli %arg1, %mul3A : i32
    %add3A = arith.addi %mul3A_0, %arg0 : i32
    %broadcast_in_dim3A = arith.constant 0.000000e+00 : f32
    %broadcast_in_dim3A_1 = vector.broadcast %broadcast_in_dim3A : f32 to vector<16xf32>
    %broadcast_in_dim3A_2 = arith.constant 1.000000e+00 : f32
    %broadcast_in_dim3A_3 = vector.broadcast %broadcast_in_dim3A_2 : f32 to vector<16xf32>
    %mul3A_4 = arith.constant 10000 : i32
    %mul3A_5 = arith.muli %add3A, %mul3A_4 : i32
    %dma_start3A = arith.constant 0 : i32
    %dma_start3A_6 = tpu.memref_slice %arg2[%dma_start3A, %mul3A_5] : memref<2x320000xi32, #tpu.memory_space<hbm>> -> memref<1x10000xi32, #tpu.memory_space<hbm>>
    %dma_start3A_7 = tpu.memref_squeeze %dma_start3A_6 : memref<1x10000xi32, #tpu.memory_space<hbm>> -> memref<10000xi32, #tpu.memory_space<hbm>>
    %dma_start3A_8 = tpu.memref_slice %arg2[%dma_start3A, %mul3A_5] : memref<2x320000xi32, #tpu.memory_space<hbm>> -> memref<1x10000xi32, #tpu.memory_space<hbm>>
    %dma_start3A_9 = tpu.memref_squeeze %dma_start3A_8 : memref<1x10000xi32, #tpu.memory_space<hbm>> -> memref<10000xi32, #tpu.memory_space<hbm>>
    tpu.enqueue_dma source(%dma_start3A_9 : memref<10000xi32, #tpu.memory_space<hbm>>) target(%arg7 : memref<10000xi32, #tpu.memory_space<vmem>>) target_semaphore(%arg13 : memref<!tpu.dma_semaphore, #tpu.memory_space<semaphore_mem>>)
    %mul3A_10 = arith.constant 10000 : i32
    %mul3A_11 = arith.muli %add3A, %mul3A_10 : i32
    %dma_start3A_12 = tpu.memref_slice %arg3[%mul3A_11] : memref<320000xi32, #tpu.memory_space<hbm>> -> memref<10000xi32, #tpu.memory_space<hbm>>
    %dma_start3A_13 = tpu.memref_slice %arg3[%mul3A_11] : memref<320000xi32, #tpu.memory_space<hbm>> -> memref<10000xi32, #tpu.memory_space<hbm>>
    tpu.enqueue_dma source(%dma_start3A_13 : memref<10000xi32, #tpu.memory_space<hbm>>) target(%arg8 : memref<10000xi32, #tpu.memory_space<vmem>>) target_semaphore(%arg13 : memref<!tpu.dma_semaphore, #tpu.memory_space<semaphore_mem>>)
    %mul3A_14 = arith.constant 10000 : i32
    %mul3A_15 = arith.muli %add3A, %mul3A_14 : i32
    %dma_start3A_16 = arith.constant 1 : i32
    %dma_start3A_17 = tpu.memref_slice %arg2[%dma_start3A_16, %mul3A_15] : memref<2x320000xi32, #tpu.memory_space<hbm>> -> memref<1x10000xi32, #tpu.memory_space<hbm>>
    %dma_start3A_18 = tpu.memref_squeeze %dma_start3A_17 : memref<1x10000xi32, #tpu.memory_space<hbm>> -> memref<10000xi32, #tpu.memory_space<hbm>>
    %dma_start3A_19 = tpu.memref_slice %arg2[%dma_start3A_16, %mul3A_15] : memref<2x320000xi32, #tpu.memory_space<hbm>> -> memref<1x10000xi32, #tpu.memory_space<hbm>>
    %dma_start3A_20 = tpu.memref_squeeze %dma_start3A_19 : memref<1x10000xi32, #tpu.memory_space<hbm>> -> memref<10000xi32, #tpu.memory_space<hbm>>
    tpu.enqueue_dma source(%dma_start3A_20 : memref<10000xi32, #tpu.memory_space<hbm>>) target(%arg9 : memref<10000xi32, #tpu.memory_space<vmem>>) target_semaphore(%arg13 : memref<!tpu.dma_semaphore, #tpu.memory_space<semaphore_mem>>)
    %scan3A = arith.constant 0 : i32
    %scan3A_21 = arith.constant 0 : i32
    %scan3A_22 = arith.constant 625 : i32
    %scan3A_23 = arith.addi %scan3A_21, %scan3A_22 : i32
    %scan3A_24 = arith.constant 1 : i32
    %scan3A_25 = scf.for %scan3A_75 = %scan3A_21 to %scan3A_23 step %scan3A_24 iter_args(%scan3A_76 = %scan3A) -> (i32)  : i32 {
      %mul3A_77 = arith.constant 16 : i32
      %mul3A_78 = arith.muli %scan3A_75, %mul3A_77 : i32
      %swap3A = arith.index_cast %mul3A_78 : i32 to index
      %swap3A_79 = tpu.vector_load %arg12[%swap3A] {strides = array<i32>} : memref<10000xf32, #tpu.memory_space<vmem>>, vector<16xf32>,
      tpu.vector_store %arg12[%swap3A], %broadcast_in_dim3A_1 {strides = array<i32>} : memref<10000xf32, #tpu.memory_space<vmem>>, vector<16xf32>,
      %scan3A_80 = arith.constant 0 : i32
      scf.yield %scan3A_80 : i32
    }
    %scan3A_26 = arith.constant 625 : i32
    %dma_wait3A = arith.constant 0 : i32
    %dma_wait3A_27 = arith.constant 0 : i32
    %dma_wait3A_28 = tpu.memref_slice %arg2[%dma_wait3A, %dma_wait3A_27] : memref<2x320000xi32, #tpu.memory_space<hbm>> -> memref<1x10000xi32, #tpu.memory_space<hbm>>
    %dma_wait3A_29 = tpu.memref_squeeze %dma_wait3A_28 : memref<1x10000xi32, #tpu.memory_space<hbm>> -> memref<10000xi32, #tpu.memory_space<hbm>>
    %dma_wait3A_30 = arith.constant 0 : i32
    %dma_wait3A_31 = tpu.memref_slice %arg2[%dma_wait3A, %dma_wait3A_30] : memref<2x320000xi32, #tpu.memory_space<hbm>> -> memref<1x10000xi32, #tpu.memory_space<hbm>>
    %dma_wait3A_32 = tpu.memref_squeeze %dma_wait3A_31 : memref<1x10000xi32, #tpu.memory_space<hbm>> -> memref<10000xi32, #tpu.memory_space<hbm>>
    tpu.wait_dma2 semaphore(%arg13 : memref<!tpu.dma_semaphore, #tpu.memory_space<semaphore_mem>>) src(%dma_wait3A_32 : memref<10000xi32, #tpu.memory_space<hbm>>) dst(%arg7 : memref<10000xi32, #tpu.memory_space<vmem>>)
    %dma_wait3A_33 = arith.constant 0 : i32
    %dma_wait3A_34 = tpu.memref_slice %arg3[%dma_wait3A_33] : memref<320000xi32, #tpu.memory_space<hbm>> -> memref<10000xi32, #tpu.memory_space<hbm>>
    %dma_wait3A_35 = arith.constant 0 : i32
    %dma_wait3A_36 = tpu.memref_slice %arg3[%dma_wait3A_35] : memref<320000xi32, #tpu.memory_space<hbm>> -> memref<10000xi32, #tpu.memory_space<hbm>>
    tpu.wait_dma2 semaphore(%arg13 : memref<!tpu.dma_semaphore, #tpu.memory_space<semaphore_mem>>) src(%dma_wait3A_36 : memref<10000xi32, #tpu.memory_space<hbm>>) dst(%arg8 : memref<10000xi32, #tpu.memory_space<vmem>>)
    %dma_wait3A_37 = arith.constant 1 : i32
    %dma_wait3A_38 = arith.constant 0 : i32
    %dma_wait3A_39 = tpu.memref_slice %arg2[%dma_wait3A_37, %dma_wait3A_38] : memref<2x320000xi32, #tpu.memory_space<hbm>> -> memref<1x10000xi32, #tpu.memory_space<hbm>>
    %dma_wait3A_40 = tpu.memref_squeeze %dma_wait3A_39 : memref<1x10000xi32, #tpu.memory_space<hbm>> -> memref<10000xi32, #tpu.memory_space<hbm>>
    %dma_wait3A_41 = arith.constant 0 : i32
    %dma_wait3A_42 = tpu.memref_slice %arg2[%dma_wait3A_37, %dma_wait3A_41] : memref<2x320000xi32, #tpu.memory_space<hbm>> -> memref<1x10000xi32, #tpu.memory_space<hbm>>
    %dma_wait3A_43 = tpu.memref_squeeze %dma_wait3A_42 : memref<1x10000xi32, #tpu.memory_space<hbm>> -> memref<10000xi32, #tpu.memory_space<hbm>>
    tpu.wait_dma2 semaphore(%arg13 : memref<!tpu.dma_semaphore, #tpu.memory_space<semaphore_mem>>) src(%dma_wait3A_43 : memref<10000xi32, #tpu.memory_space<hbm>>) dst(%arg9 : memref<10000xi32, #tpu.memory_space<vmem>>)
    %scan3A_44 = arith.constant 0 : i32
    %scan3A_45 = arith.constant 0 : i32
    %scan3A_46 = arith.constant 625 : i32
    %scan3A_47 = arith.addi %scan3A_45, %scan3A_46 : i32
    %scan3A_48 = arith.constant 1 : i32
    %scan3A_49 = scf.for %scan3A_75 = %scan3A_45 to %scan3A_47 step %scan3A_48 iter_args(%scan3A_76 = %scan3A_44) -> (i32)  : i32 {
      %jit3A = arith.constant 5 : i32
      %div3A = arith.divsi %scan3A_75, %jit3A : i32
      %sign3A = arith.constant 0 : i32
      %sign3A_77 = arith.cmpi sgt, %scan3A_75, %sign3A : i32
      %sign3A_78 = arith.extui %sign3A_77 : i1 to i32
      %sign3A_79 = arith.constant 0 : i32
      %sign3A_80 = arith.cmpi slt, %scan3A_75, %sign3A_79 : i32
      %sign3A_81 = arith.extui %sign3A_80 : i1 to i32
      %sign3A_82 = arith.subi %sign3A_78, %sign3A_81 : i32
      %sign3A_83 = arith.constant 0 : i32
      %sign3A_84 = arith.cmpi sgt, %jit3A, %sign3A_83 : i32
      %sign3A_85 = arith.extui %sign3A_84 : i1 to i32
      %sign3A_86 = arith.constant 0 : i32
      %sign3A_87 = arith.cmpi slt, %jit3A, %sign3A_86 : i32
      %sign3A_88 = arith.extui %sign3A_87 : i1 to i32
      %sign3A_89 = arith.subi %sign3A_85, %sign3A_88 : i32
      %ne3A = arith.cmpi ne, %sign3A_82, %sign3A_89 : i32
      %rem3A = arith.remsi %scan3A_75, %jit3A : i32
      %ne3A_90 = arith.constant 0 : i32
      %ne3A_91 = arith.cmpi ne, %rem3A, %ne3A_90 : i32
      %and3A = arith.andi %ne3A, %ne3A_91 : i1
      %sub3A = arith.constant 1 : i32
      %sub3A_92 = arith.subi %div3A, %sub3A : i32
      %select_n3A = arith.select %and3A, %sub3A_92, %div3A : i32
      %jit3A_93 = arith.constant 5 : i32
      %eq3A = arith.constant 0 : i32
      %eq3A_94 = arith.cmpi eq, %jit3A_93, %eq3A : i32
      %jit3A_95 = arith.constant 1 : i32
      %select_n3A_96 = arith.select %eq3A_94, %jit3A_95, %jit3A_93 : i32
      %rem3A_97 = arith.remsi %scan3A_75, %select_n3A_96 : i32
      %ne3A_98 = arith.constant 0 : i32
      %ne3A_99 = arith.cmpi ne, %rem3A_97, %ne3A_98 : i32
      %lt3A = arith.constant 0 : i32
      %lt3A_100 = arith.cmpi slt, %rem3A_97, %lt3A : i32
      %lt3A_101 = arith.constant 0 : i32
      %lt3A_102 = arith.cmpi slt, %select_n3A_96, %lt3A_101 : i32
      %ne3A_103 = arith.xori %lt3A_100, %lt3A_102 : i1
      %and3A_104 = arith.andi %ne3A_103, %ne3A_99 : i1
      %add3A_105 = arith.addi %rem3A_97, %select_n3A_96 : i32
      %select_n3A_106 = arith.select %and3A_104, %add3A_105, %rem3A_97 : i32
      %mul3A_107 = arith.constant 16 : i32
      %mul3A_108 = arith.muli %select_n3A_106, %mul3A_107 : i32
      %mul3A_109 = arith.constant 16 : i32
      %mul3A_110 = arith.muli %scan3A_75, %mul3A_109 : i32
      %get3A = arith.index_cast %mul3A_110 : i32 to index
      %get3A_111 = tpu.vector_load %arg7[%get3A] {strides = array<i32>} : memref<10000xi32, #tpu.memory_space<vmem>>, vector<16xi32>,
      %mul3A_112 = arith.constant 16 : i32
      %mul3A_113 = arith.muli %scan3A_75, %mul3A_112 : i32
      %get3A_114 = arith.index_cast %mul3A_113 : i32 to index
      %get3A_115 = tpu.vector_load %arg8[%get3A_114] {strides = array<i32>} : memref<10000xi32, #tpu.memory_space<vmem>>, vector<16xi32>,
      %mul3A_116 = arith.constant 16 : i32
      %mul3A_117 = arith.muli %scan3A_75, %mul3A_116 : i32
      %get3A_118 = arith.index_cast %mul3A_117 : i32 to index
      %get3A_119 = tpu.vector_load %arg9[%get3A_118] {strides = array<i32>} : memref<10000xi32, #tpu.memory_space<vmem>>, vector<16xi32>,
      %mul3A_120 = arith.constant 10000 : i32
      %mul3A_121 = vector.broadcast %mul3A_120 : i32 to vector<16xi32>
      %mul3A_122 = arith.muli %get3A_115, %mul3A_121 : vector<16xi32>
      %add3A_123 = arith.addi %mul3A_122, %get3A_111 : vector<16xi32>
      %swap3A = arith.index_cast %select_n3A : i32 to index
      %swap3A_124 = arith.index_cast %mul3A_108 : i32 to index
      %swap3A_125 = tpu.vector_load %arg10[%swap3A, %swap3A_124] {strides = array<i32>} : memref<125x80xi32, #tpu.memory_space<vmem>>, vector<16xi32>,
      tpu.vector_store %arg10[%swap3A, %swap3A_124], %add3A_123 {strides = array<i32>} : memref<125x80xi32, #tpu.memory_space<vmem>>, vector<16xi32>,
      %swap3A_126 = arith.index_cast %select_n3A : i32 to index
      %swap3A_127 = arith.index_cast %mul3A_108 : i32 to index
      %swap3A_128 = tpu.vector_load %arg11[%swap3A_126, %swap3A_127] {strides = array<i32>} : memref<125x80xi32, #tpu.memory_space<vmem>>, vector<16xi32>,
      tpu.vector_store %arg11[%swap3A_126, %swap3A_127], %get3A_119 {strides = array<i32>} : memref<125x80xi32, #tpu.memory_space<vmem>>, vector<16xi32>,
      tpu.vector_store_idx %arg12[%get3A_119], %broadcast_in_dim3A_3 {add = true} : memref<10000xf32, #tpu.memory_space<vmem>>[vector<16xi32>], vector<16xf32>,
      %scan3A_129 = arith.constant 0 : i32
      scf.yield %scan3A_129 : i32
    }
    %scan3A_50 = arith.constant 625 : i32
    %mul3A_51 = arith.constant 125 : i32
    %mul3A_52 = arith.muli %add3A, %mul3A_51 : i32
    %dma_start3A_53 = arith.constant 0 : i32
    %dma_start3A_54 = tpu.memref_slice %arg4[%mul3A_52, %dma_start3A_53] : memref<4000x80xi32, #tpu.memory_space<hbm>> -> memref<125x80xi32, #tpu.memory_space<hbm>>
    %dma_start3A_55 = arith.constant 0 : i32
    %dma_start3A_56 = tpu.memref_slice %arg4[%mul3A_52, %dma_start3A_55] : memref<4000x80xi32, #tpu.memory_space<hbm>> -> memref<125x80xi32, #tpu.memory_space<hbm>>
    tpu.enqueue_dma source(%arg10 : memref<125x80xi32, #tpu.memory_space<vmem>>) target(%dma_start3A_56 : memref<125x80xi32, #tpu.memory_space<hbm>>) target_semaphore(%arg13 : memref<!tpu.dma_semaphore, #tpu.memory_space<semaphore_mem>>)
    %mul3A_57 = arith.constant 125 : i32
    %mul3A_58 = arith.muli %add3A, %mul3A_57 : i32
    %dma_start3A_59 = arith.constant 0 : i32
    %dma_start3A_60 = tpu.memref_slice %arg5[%mul3A_58, %dma_start3A_59] : memref<4000x80xi32, #tpu.memory_space<hbm>> -> memref<125x80xi32, #tpu.memory_space<hbm>>
    %dma_start3A_61 = arith.constant 0 : i32
    %dma_start3A_62 = tpu.memref_slice %arg5[%mul3A_58, %dma_start3A_61] : memref<4000x80xi32, #tpu.memory_space<hbm>> -> memref<125x80xi32, #tpu.memory_space<hbm>>
    tpu.enqueue_dma source(%arg11 : memref<125x80xi32, #tpu.memory_space<vmem>>) target(%dma_start3A_62 : memref<125x80xi32, #tpu.memory_space<hbm>>) target_semaphore(%arg13 : memref<!tpu.dma_semaphore, #tpu.memory_space<semaphore_mem>>)
    "tpu.region"() ({
      %run_scoped3A = tpu.sem_alloc : memref<!tpu.dma_semaphore, #tpu.memory_space<semaphore_mem>>
      %dma_start3A_75 = arith.constant 0 : i32
      %dma_start3A_76 = tpu.memref_slice %arg6[%add3A, %dma_start3A_75] : memref<32x10000xf32, #tpu.memory_space<hbm>> -> memref<1x10000xf32, #tpu.memory_space<hbm>>
      %dma_start3A_77 = tpu.memref_squeeze %dma_start3A_76 : memref<1x10000xf32, #tpu.memory_space<hbm>> -> memref<10000xf32, #tpu.memory_space<hbm>>
      %dma_start3A_78 = arith.constant 0 : i32
      %dma_start3A_79 = tpu.memref_slice %arg6[%add3A, %dma_start3A_78] : memref<32x10000xf32, #tpu.memory_space<hbm>> -> memref<1x10000xf32, #tpu.memory_space<hbm>>
      %dma_start3A_80 = tpu.memref_squeeze %dma_start3A_79 : memref<1x10000xf32, #tpu.memory_space<hbm>> -> memref<10000xf32, #tpu.memory_space<hbm>>
      tpu.enqueue_dma source(%arg12 : memref<10000xf32, #tpu.memory_space<vmem>>) target(%dma_start3A_80 : memref<10000xf32, #tpu.memory_space<hbm>>) target_semaphore(%run_scoped3A : memref<!tpu.dma_semaphore, #tpu.memory_space<semaphore_mem>>)
      %dma_wait3A_81 = arith.constant 0 : i32
      %dma_wait3A_82 = tpu.memref_slice %arg6[%add3A, %dma_wait3A_81] : memref<32x10000xf32, #tpu.memory_space<hbm>> -> memref<1x10000xf32, #tpu.memory_space<hbm>>
      %dma_wait3A_83 = tpu.memref_squeeze %dma_wait3A_82 : memref<1x10000xf32, #tpu.memory_space<hbm>> -> memref<10000xf32, #tpu.memory_space<hbm>>
      %dma_wait3A_84 = arith.constant 0 : i32
      %dma_wait3A_85 = tpu.memref_slice %arg6[%add3A, %dma_wait3A_84] : memref<32x10000xf32, #tpu.memory_space<hbm>> -> memref<1x10000xf32, #tpu.memory_space<hbm>>
      %dma_wait3A_86 = tpu.memref_squeeze %dma_wait3A_85 : memref<1x10000xf32, #tpu.memory_space<hbm>> -> memref<10000xf32, #tpu.memory_space<hbm>>
      tpu.wait_dma2 semaphore(%run_scoped3A : memref<!tpu.dma_semaphore, #tpu.memory_space<semaphore_mem>>) src(%arg12 : memref<10000xf32, #tpu.memory_space<vmem>>) dst(%dma_wait3A_86 : memref<10000xf32, #tpu.memory_space<hbm>>)
      tpu.yield
    }) : () -> ()
    %dma_wait3A_63 = arith.constant 0 : i32
    %dma_wait3A_64 = arith.constant 0 : i32
    %dma_wait3A_65 = tpu.memref_slice %arg4[%dma_wait3A_63, %dma_wait3A_64] : memref<4000x80xi32, #tpu.memory_space<hbm>> -> memref<125x80xi32, #tpu.memory_space<hbm>>
    %dma_wait3A_66 = arith.constant 0 : i32
    %dma_wait3A_67 = arith.constant 0 : i32
    %dma_wait3A_68 = tpu.memref_slice %arg4[%dma_wait3A_66, %dma_wait3A_67] : memref<4000x80xi32, #tpu.memory_space<hbm>> -> memref<125x80xi32, #tpu.memory_space<hbm>>
    tpu.wait_dma2 semaphore(%arg13 : memref<!tpu.dma_semaphore, #tpu.memory_space<semaphore_mem>>) src(%arg10 : memref<125x80xi32, #tpu.memory_space<vmem>>) dst(%dma_wait3A_68 : memref<125x80xi32, #tpu.memory_space<hbm>>)
    %dma_wait3A_69 = arith.constant 0 : i32
    %dma_wait3A_70 = arith.constant 0 : i32
    %dma_wait3A_71 = tpu.memref_slice %arg5[%dma_wait3A_69, %dma_wait3A_70] : memref<4000x80xi32, #tpu.memory_space<hbm>> -> memref<125x80xi32, #tpu.memory_space<hbm>>
    %dma_wait3A_72 = arith.constant 0 : i32
    %dma_wait3A_73 = arith.constant 0 : i32
    %dma_wait3A_74 = tpu.memref_slice %arg5[%dma_wait3A_72, %dma_wait3A_73] : memref<4000x80xi32, #tpu.memory_space<hbm>> -> memref<125x80xi32, #tpu.memory_space<hbm>>
    tpu.wait_dma2 semaphore(%arg13 : memref<!tpu.dma_semaphore, #tpu.memory_space<semaphore_mem>>) src(%arg11 : memref<125x80xi32, #tpu.memory_space<vmem>>) dst(%dma_wait3A_74 : memref<125x80xi32, #tpu.memory_space<hbm>>)
    return
  }
}

#map = affine_map<(d0, d1) -> (0, 0)>
#map1 = affine_map<(d0, d1) -> (0, 0, 0)>
module attributes {stable_mosaic.version = 14 : i64} {
  func.func @sc_kernel(%arg0: i32, %arg1: i32, %arg2: memref<80000x128xf32, #tpu.memory_space<hbm>>, %arg3: memref<4000x80xi32, #tpu.memory_space<hbm>>, %arg4: memref<4000x80xi32, #tpu.memory_space<hbm>>, %arg5: memref<2x10000x128xf32, #tpu.memory_space<hbm>>, %arg6: memref<125x80xi32, #tpu.memory_space<vmem>>, %arg7: memref<125x80xi32, #tpu.memory_space<vmem>>, %arg8: memref<80x128xf32, #tpu.memory_space<vmem>>, %arg9: memref<80x128xf32, #tpu.memory_space<vmem>>, %arg10: memref<80x128xf32, #tpu.memory_space<vmem>>, %arg11: memref<10000x128xf32, #tpu.memory_space<vmem_shared>>, %arg12: memref<!tpu.dma_semaphore, #tpu.memory_space<semaphore_mem>>, %arg13: memref<!tpu.dma_semaphore, #tpu.memory_space<semaphore_mem>>, %arg14: memref<!tpu.dma_semaphore, #tpu.memory_space<semaphore_mem>>, %arg15: memref<!tpu.dma_semaphore, #tpu.memory_space<semaphore_mem>>, %arg16: memref<!tpu.dma_semaphore, #tpu.memory_space<semaphore_mem>>, %arg17: memref<!tpu.dma_semaphore, #tpu.memory_space<semaphore_mem>>, %arg18: memref<!tpu.dma_semaphore, #tpu.memory_space<semaphore_mem>>, %arg19: memref<!tpu.dma_semaphore, #tpu.memory_space<semaphore_mem>>) attributes {dimension_semantics = [#tpu.dimension_semantics<core_parallel>, #tpu.dimension_semantics<subcore_parallel>], iteration_bounds = array<i64: 2, 16>, scalar_prefetch = 0 : i64, scratch_operands = 14 : i64, tpu.core_type = #tpu.core_type<sc_vector_subcore>, window_params = [{transform_indices = #map}, {transform_indices = #map}, {transform_indices = #map}, {transform_indices = #map1}]} {
    %mul3A = arith.constant 2 : i32
    %mul3A_0 = arith.muli %arg1, %mul3A : i32
    %add3A = arith.addi %mul3A_0, %arg0 : i32
    %broadcast_in_dim3A = arith.constant 0.000000e+00 : f32
    %broadcast_in_dim3A_1 = vector.broadcast %broadcast_in_dim3A : f32 to vector<16xf32>
    %mul3A_2 = arith.constant 125 : i32
    %mul3A_3 = arith.muli %add3A, %mul3A_2 : i32
    %dma_start3A = arith.constant 0 : i32
    %dma_start3A_4 = tpu.memref_slice %arg3[%mul3A_3, %dma_start3A] : memref<4000x80xi32, #tpu.memory_space<hbm>> -> memref<125x80xi32, #tpu.memory_space<hbm>>
    %dma_start3A_5 = arith.constant 0 : i32
    %dma_start3A_6 = tpu.memref_slice %arg3[%mul3A_3, %dma_start3A_5] : memref<4000x80xi32, #tpu.memory_space<hbm>> -> memref<125x80xi32, #tpu.memory_space<hbm>>
    tpu.enqueue_dma source(%dma_start3A_6 : memref<125x80xi32, #tpu.memory_space<hbm>>) target(%arg6 : memref<125x80xi32, #tpu.memory_space<vmem>>) target_semaphore(%arg12 : memref<!tpu.dma_semaphore, #tpu.memory_space<semaphore_mem>>)
    %mul3A_7 = arith.constant 125 : i32
    %mul3A_8 = arith.muli %add3A, %mul3A_7 : i32
    %dma_start3A_9 = arith.constant 0 : i32
    %dma_start3A_10 = tpu.memref_slice %arg4[%mul3A_8, %dma_start3A_9] : memref<4000x80xi32, #tpu.memory_space<hbm>> -> memref<125x80xi32, #tpu.memory_space<hbm>>
    %dma_start3A_11 = arith.constant 0 : i32
    %dma_start3A_12 = tpu.memref_slice %arg4[%mul3A_8, %dma_start3A_11] : memref<4000x80xi32, #tpu.memory_space<hbm>> -> memref<125x80xi32, #tpu.memory_space<hbm>>
    tpu.enqueue_dma source(%dma_start3A_12 : memref<125x80xi32, #tpu.memory_space<hbm>>) target(%arg7 : memref<125x80xi32, #tpu.memory_space<vmem>>) target_semaphore(%arg12 : memref<!tpu.dma_semaphore, #tpu.memory_space<semaphore_mem>>)
    %scan3A = arith.constant 0 : i32
    %scan3A_13 = arith.constant 0 : i32
    %scan3A_14 = arith.constant 640 : i32
    %scan3A_15 = arith.addi %scan3A_13, %scan3A_14 : i32
    %scan3A_16 = arith.constant 1 : i32
    %scan3A_17 = scf.for %scan3A_102 = %scan3A_13 to %scan3A_15 step %scan3A_16 iter_args(%scan3A_103 = %scan3A) -> (i32)  : i32 {
      %jit3A = arith.constant 8 : i32
      %div3A = arith.divsi %scan3A_102, %jit3A : i32
      %sign3A = arith.constant 0 : i32
      %sign3A_104 = arith.cmpi sgt, %scan3A_102, %sign3A : i32
      %sign3A_105 = arith.extui %sign3A_104 : i1 to i32
      %sign3A_106 = arith.constant 0 : i32
      %sign3A_107 = arith.cmpi slt, %scan3A_102, %sign3A_106 : i32
      %sign3A_108 = arith.extui %sign3A_107 : i1 to i32
      %sign3A_109 = arith.subi %sign3A_105, %sign3A_108 : i32
      %sign3A_110 = arith.constant 0 : i32
      %sign3A_111 = arith.cmpi sgt, %jit3A, %sign3A_110 : i32
      %sign3A_112 = arith.extui %sign3A_111 : i1 to i32
      %sign3A_113 = arith.constant 0 : i32
      %sign3A_114 = arith.cmpi slt, %jit3A, %sign3A_113 : i32
      %sign3A_115 = arith.extui %sign3A_114 : i1 to i32
      %sign3A_116 = arith.subi %sign3A_112, %sign3A_115 : i32
      %ne3A = arith.cmpi ne, %sign3A_109, %sign3A_116 : i32
      %rem3A = arith.remsi %scan3A_102, %jit3A : i32
      %ne3A_117 = arith.constant 0 : i32
      %ne3A_118 = arith.cmpi ne, %rem3A, %ne3A_117 : i32
      %and3A = arith.andi %ne3A, %ne3A_118 : i1
      %sub3A = arith.constant 1 : i32
      %sub3A_119 = arith.subi %div3A, %sub3A : i32
      %select_n3A = arith.select %and3A, %sub3A_119, %div3A : i32
      %jit3A_120 = arith.constant 8 : i32
      %eq3A = arith.constant 0 : i32
      %eq3A_121 = arith.cmpi eq, %jit3A_120, %eq3A : i32
      %jit3A_122 = arith.constant 1 : i32
      %select_n3A_123 = arith.select %eq3A_121, %jit3A_122, %jit3A_120 : i32
      %rem3A_124 = arith.remsi %scan3A_102, %select_n3A_123 : i32
      %ne3A_125 = arith.constant 0 : i32
      %ne3A_126 = arith.cmpi ne, %rem3A_124, %ne3A_125 : i32
      %lt3A = arith.constant 0 : i32
      %lt3A_127 = arith.cmpi slt, %rem3A_124, %lt3A : i32
      %lt3A_128 = arith.constant 0 : i32
      %lt3A_129 = arith.cmpi slt, %select_n3A_123, %lt3A_128 : i32
      %ne3A_130 = arith.xori %lt3A_127, %lt3A_129 : i1
      %and3A_131 = arith.andi %ne3A_130, %ne3A_126 : i1
      %add3A_132 = arith.addi %rem3A_124, %select_n3A_123 : i32
      %select_n3A_133 = arith.select %and3A_131, %add3A_132, %rem3A_124 : i32
      %mul3A_134 = arith.constant 16 : i32
      %mul3A_135 = arith.muli %select_n3A_133, %mul3A_134 : i32
      %swap3A = arith.index_cast %select_n3A : i32 to index
      %swap3A_136 = arith.index_cast %mul3A_135 : i32 to index
      %swap3A_137 = tpu.vector_load %arg8[%swap3A, %swap3A_136] {strides = array<i32>} : memref<80x128xf32, #tpu.memory_space<vmem>>, vector<16xf32>,
      tpu.vector_store %arg8[%swap3A, %swap3A_136], %broadcast_in_dim3A_1 {strides = array<i32>} : memref<80x128xf32, #tpu.memory_space<vmem>>, vector<16xf32>,
      %scan3A_138 = arith.constant 0 : i32
      scf.yield %scan3A_138 : i32
    }
    %scan3A_18 = arith.constant 640 : i32
    %scan3A_19 = arith.constant 0 : i32
    %scan3A_20 = arith.constant 0 : i32
    %scan3A_21 = arith.constant 8 : i32
    %scan3A_22 = arith.addi %scan3A_20, %scan3A_21 : i32
    %scan3A_23 = arith.constant 1 : i32
    %scan3A_24 = scf.for %scan3A_102 = %scan3A_20 to %scan3A_22 step %scan3A_23 iter_args(%scan3A_103 = %scan3A_19) -> (i32)  : i32 {
      %mul3A_104 = arith.constant 16 : i32
      %mul3A_105 = arith.muli %scan3A_102, %mul3A_104 : i32
      %add3A_106 = arith.addi %mul3A_105, %arg1 : i32
      %lt3A = arith.constant 125 : i32
      %lt3A_107 = arith.cmpi slt, %add3A_106, %lt3A : i32
      %convert_element_type3A = arith.extui %lt3A_107 : i1 to i32
      %cond3A = arith.constant 0 : i32
      %cond3A_108 = arith.cmpi ne, %convert_element_type3A, %cond3A : i32
      scf.if %cond3A_108 {
        %mul3A_110 = arith.constant 80 : i32
        %mul3A_111 = arith.muli %add3A_106, %mul3A_110 : i32
        %dma_start3A_112 = arith.constant 0 : i32
        %dma_start3A_113 = tpu.memref_slice %arg11[%mul3A_111, %dma_start3A_112] : memref<10000x128xf32, #tpu.memory_space<vmem_shared>> -> memref<80x128xf32, #tpu.memory_space<vmem_shared>>
        %dma_start3A_114 = arith.constant 0 : i32
        %dma_start3A_115 = tpu.memref_slice %arg11[%mul3A_111, %dma_start3A_114] : memref<10000x128xf32, #tpu.memory_space<vmem_shared>> -> memref<80x128xf32, #tpu.memory_space<vmem_shared>>
        tpu.enqueue_dma source(%arg8 : memref<80x128xf32, #tpu.memory_space<vmem>>) target(%dma_start3A_115 : memref<80x128xf32, #tpu.memory_space<vmem_shared>>) target_semaphore(%arg13 : memref<!tpu.dma_semaphore, #tpu.memory_space<semaphore_mem>>)
      } else {
      }
      %scan3A_109 = arith.constant 0 : i32
      scf.yield %scan3A_109 : i32
    }
    %scan3A_25 = arith.constant 8 : i32
    %scan3A_26 = arith.constant 0 : i32
    %scan3A_27 = arith.constant 0 : i32
    %scan3A_28 = arith.constant 8 : i32
    %scan3A_29 = arith.addi %scan3A_27, %scan3A_28 : i32
    %scan3A_30 = arith.constant 1 : i32
    %scan3A_31 = scf.for %scan3A_102 = %scan3A_27 to %scan3A_29 step %scan3A_30 iter_args(%scan3A_103 = %scan3A_26) -> (i32)  : i32 {
      %mul3A_104 = arith.constant 16 : i32
      %mul3A_105 = arith.muli %scan3A_102, %mul3A_104 : i32
      %add3A_106 = arith.addi %mul3A_105, %arg1 : i32
      %lt3A = arith.constant 125 : i32
      %lt3A_107 = arith.cmpi slt, %add3A_106, %lt3A : i32
      %convert_element_type3A = arith.extui %lt3A_107 : i1 to i32
      %cond3A = arith.constant 0 : i32
      %cond3A_108 = arith.cmpi ne, %convert_element_type3A, %cond3A : i32
      scf.if %cond3A_108 {
        %mul3A_110 = arith.constant 80 : i32
        %mul3A_111 = arith.muli %add3A_106, %mul3A_110 : i32
        %dma_wait3A_112 = arith.constant 0 : i32
        %dma_wait3A_113 = tpu.memref_slice %arg11[%mul3A_111, %dma_wait3A_112] : memref<10000x128xf32, #tpu.memory_space<vmem_shared>> -> memref<80x128xf32, #tpu.memory_space<vmem_shared>>
        %dma_wait3A_114 = arith.constant 0 : i32
        %dma_wait3A_115 = tpu.memref_slice %arg11[%mul3A_111, %dma_wait3A_114] : memref<10000x128xf32, #tpu.memory_space<vmem_shared>> -> memref<80x128xf32, #tpu.memory_space<vmem_shared>>
        tpu.wait_dma2 semaphore(%arg13 : memref<!tpu.dma_semaphore, #tpu.memory_space<semaphore_mem>>) src(%arg8 : memref<80x128xf32, #tpu.memory_space<vmem>>) dst(%dma_wait3A_115 : memref<80x128xf32, #tpu.memory_space<vmem_shared>>)
      } else {
      }
      %scan3A_109 = arith.constant 0 : i32
      scf.yield %scan3A_109 : i32
    }
    %scan3A_32 = arith.constant 8 : i32
    %dma_wait3A = arith.constant 0 : i32
    %dma_wait3A_33 = arith.constant 0 : i32
    %dma_wait3A_34 = tpu.memref_slice %arg3[%dma_wait3A, %dma_wait3A_33] : memref<4000x80xi32, #tpu.memory_space<hbm>> -> memref<125x80xi32, #tpu.memory_space<hbm>>
    %dma_wait3A_35 = arith.constant 0 : i32
    %dma_wait3A_36 = arith.constant 0 : i32
    %dma_wait3A_37 = tpu.memref_slice %arg3[%dma_wait3A_35, %dma_wait3A_36] : memref<4000x80xi32, #tpu.memory_space<hbm>> -> memref<125x80xi32, #tpu.memory_space<hbm>>
    tpu.wait_dma2 semaphore(%arg12 : memref<!tpu.dma_semaphore, #tpu.memory_space<semaphore_mem>>) src(%dma_wait3A_37 : memref<125x80xi32, #tpu.memory_space<hbm>>) dst(%arg6 : memref<125x80xi32, #tpu.memory_space<vmem>>)
    %dma_wait3A_38 = arith.constant 0 : i32
    %dma_wait3A_39 = arith.constant 0 : i32
    %dma_wait3A_40 = tpu.memref_slice %arg4[%dma_wait3A_38, %dma_wait3A_39] : memref<4000x80xi32, #tpu.memory_space<hbm>> -> memref<125x80xi32, #tpu.memory_space<hbm>>
    %dma_wait3A_41 = arith.constant 0 : i32
    %dma_wait3A_42 = arith.constant 0 : i32
    %dma_wait3A_43 = tpu.memref_slice %arg4[%dma_wait3A_41, %dma_wait3A_42] : memref<4000x80xi32, #tpu.memory_space<hbm>> -> memref<125x80xi32, #tpu.memory_space<hbm>>
    tpu.wait_dma2 semaphore(%arg12 : memref<!tpu.dma_semaphore, #tpu.memory_space<semaphore_mem>>) src(%dma_wait3A_43 : memref<125x80xi32, #tpu.memory_space<hbm>>) dst(%arg7 : memref<125x80xi32, #tpu.memory_space<vmem>>)
    %barrier3A = arith.constant 0 : index
    tpu.barrier barrier_id(%barrier3A)
    %dma_start3A_44 = arith.constant 0 : i32
    %dma_start3A_45 = arith.constant 0 : i32
    %dma_start3A_46 = tpu.memref_slice %arg6[%dma_start3A_44, %dma_start3A_45] : memref<125x80xi32, #tpu.memory_space<vmem>> -> memref<1x80xi32, #tpu.memory_space<vmem>>
    %dma_start3A_47 = tpu.memref_squeeze %dma_start3A_46 : memref<1x80xi32, #tpu.memory_space<vmem>> -> memref<80xi32, #tpu.memory_space<vmem>>
    %dma_start3A_48 = arith.constant 0 : i32
    %dma_start3A_49 = arith.constant 0 : i32
    %dma_start3A_50 = tpu.memref_slice %arg2[%dma_start3A_48, %dma_start3A_49] : memref<80000x128xf32, #tpu.memory_space<hbm>> -> memref<80000x128xf32, #tpu.memory_space<hbm>>
    tpu.enqueue_indirect_dma source(%dma_start3A_50 : memref<80000x128xf32, #tpu.memory_space<hbm>>) target(%arg8 : memref<80x128xf32, #tpu.memory_space<vmem>>) offsets(%dma_start3A_47 : memref<80xi32, #tpu.memory_space<vmem>>) semaphore(%arg14 : memref<!tpu.dma_semaphore, #tpu.memory_space<semaphore_mem>>)
    %dma_start3A_51 = arith.constant 1 : i32
    %dma_start3A_52 = arith.constant 0 : i32
    %dma_start3A_53 = tpu.memref_slice %arg6[%dma_start3A_51, %dma_start3A_52] : memref<125x80xi32, #tpu.memory_space<vmem>> -> memref<1x80xi32, #tpu.memory_space<vmem>>
    %dma_start3A_54 = tpu.memref_squeeze %dma_start3A_53 : memref<1x80xi32, #tpu.memory_space<vmem>> -> memref<80xi32, #tpu.memory_space<vmem>>
    %dma_start3A_55 = arith.constant 0 : i32
    %dma_start3A_56 = arith.constant 0 : i32
    %dma_start3A_57 = tpu.memref_slice %arg2[%dma_start3A_55, %dma_start3A_56] : memref<80000x128xf32, #tpu.memory_space<hbm>> -> memref<80000x128xf32, #tpu.memory_space<hbm>>
    tpu.enqueue_indirect_dma source(%dma_start3A_57 : memref<80000x128xf32, #tpu.memory_space<hbm>>) target(%arg9 : memref<80x128xf32, #tpu.memory_space<vmem>>) offsets(%dma_start3A_54 : memref<80xi32, #tpu.memory_space<vmem>>) semaphore(%arg15 : memref<!tpu.dma_semaphore, #tpu.memory_space<semaphore_mem>>)
    %dma_start3A_58 = arith.constant 2 : i32
    %dma_start3A_59 = arith.constant 0 : i32
    %dma_start3A_60 = tpu.memref_slice %arg6[%dma_start3A_58, %dma_start3A_59] : memref<125x80xi32, #tpu.memory_space<vmem>> -> memref<1x80xi32, #tpu.memory_space<vmem>>
    %dma_start3A_61 = tpu.memref_squeeze %dma_start3A_60 : memref<1x80xi32, #tpu.memory_space<vmem>> -> memref<80xi32, #tpu.memory_space<vmem>>
    %dma_start3A_62 = arith.constant 0 : i32
    %dma_start3A_63 = arith.constant 0 : i32
    %dma_start3A_64 = tpu.memref_slice %arg2[%dma_start3A_62, %dma_start3A_63] : memref<80000x128xf32, #tpu.memory_space<hbm>> -> memref<80000x128xf32, #tpu.memory_space<hbm>>
    tpu.enqueue_indirect_dma source(%dma_start3A_64 : memref<80000x128xf32, #tpu.memory_space<hbm>>) target(%arg10 : memref<80x128xf32, #tpu.memory_space<vmem>>) offsets(%dma_start3A_61 : memref<80xi32, #tpu.memory_space<vmem>>) semaphore(%arg16 : memref<!tpu.dma_semaphore, #tpu.memory_space<semaphore_mem>>)
    %scan3A_65 = arith.constant 0 : i32
    %scan3A_66 = arith.constant 0 : i32
    %scan3A_67 = arith.constant 41 : i32
    %scan3A_68 = arith.addi %scan3A_66, %scan3A_67 : i32
    %scan3A_69 = arith.constant 1 : i32
    %scan3A_70 = scf.for %scan3A_102 = %scan3A_66 to %scan3A_68 step %scan3A_69 iter_args(%scan3A_103 = %scan3A_65) -> (i32)  : i32 {
      %mul3A_104 = arith.constant 3 : i32
      %mul3A_105 = arith.muli %mul3A_104, %scan3A_102 : i32
      %add3A_106 = arith.constant 0 : i32
      %add3A_107 = arith.addi %mul3A_105, %add3A_106 : i32
      %dma_wait3A_108 = arith.constant 0 : i32
      %dma_wait3A_109 = tpu.memref_slice %arg6[%add3A_107, %dma_wait3A_108] : memref<125x80xi32, #tpu.memory_space<vmem>> -> memref<1x80xi32, #tpu.memory_space<vmem>>
      %dma_wait3A_110 = tpu.memref_squeeze %dma_wait3A_109 : memref<1x80xi32, #tpu.memory_space<vmem>> -> memref<80xi32, #tpu.memory_space<vmem>>
      %dma_wait3A_111 = arith.constant 0 : i32
      %dma_wait3A_112 = arith.constant 0 : i32
      %dma_wait3A_113 = tpu.memref_slice %arg2[%dma_wait3A_111, %dma_wait3A_112] : memref<80000x128xf32, #tpu.memory_space<hbm>> -> memref<80000x128xf32, #tpu.memory_space<hbm>>
      tpu.wait_indirect_dma semaphore(%arg14 : memref<!tpu.dma_semaphore, #tpu.memory_space<semaphore_mem>>) src(%dma_wait3A_113 : memref<80000x128xf32, #tpu.memory_space<hbm>>) dst(%arg8 : memref<80x128xf32, #tpu.memory_space<vmem>>)
      %dma_start3A_114 = arith.constant 0 : i32
      %dma_start3A_115 = tpu.memref_slice %arg7[%add3A_107, %dma_start3A_114] : memref<125x80xi32, #tpu.memory_space<vmem>> -> memref<1x80xi32, #tpu.memory_space<vmem>>
      %dma_start3A_116 = tpu.memref_squeeze %dma_start3A_115 : memref<1x80xi32, #tpu.memory_space<vmem>> -> memref<80xi32, #tpu.memory_space<vmem>>
      %dma_start3A_117 = arith.constant 0 : i32
      %dma_start3A_118 = arith.constant 0 : i32
      %dma_start3A_119 = tpu.memref_slice %arg11[%dma_start3A_117, %dma_start3A_118] : memref<10000x128xf32, #tpu.memory_space<vmem_shared>> -> memref<10000x128xf32, #tpu.memory_space<vmem_shared>>
      tpu.enqueue_indirect_dma source(%arg8 : memref<80x128xf32, #tpu.memory_space<vmem>>) target(%dma_start3A_119 : memref<10000x128xf32, #tpu.memory_space<vmem_shared>>) offsets(%dma_start3A_116 : memref<80xi32, #tpu.memory_space<vmem>>) semaphore(%arg17 : memref<!tpu.dma_semaphore, #tpu.memory_space<semaphore_mem>>) {add = true}
      %dma_wait3A_120 = arith.constant 0 : i32
      %dma_wait3A_121 = tpu.memref_slice %arg7[%add3A_107, %dma_wait3A_120] : memref<125x80xi32, #tpu.memory_space<vmem>> -> memref<1x80xi32, #tpu.memory_space<vmem>>
      %dma_wait3A_122 = tpu.memref_squeeze %dma_wait3A_121 : memref<1x80xi32, #tpu.memory_space<vmem>> -> memref<80xi32, #tpu.memory_space<vmem>>
      %dma_wait3A_123 = arith.constant 0 : i32
      %dma_wait3A_124 = arith.constant 0 : i32
      %dma_wait3A_125 = tpu.memref_slice %arg11[%dma_wait3A_123, %dma_wait3A_124] : memref<10000x128xf32, #tpu.memory_space<vmem_shared>> -> memref<10000x128xf32, #tpu.memory_space<vmem_shared>>
      tpu.wait_indirect_dma semaphore(%arg17 : memref<!tpu.dma_semaphore, #tpu.memory_space<semaphore_mem>>) src(%arg8 : memref<80x128xf32, #tpu.memory_space<vmem>>) dst(%dma_wait3A_125 : memref<10000x128xf32, #tpu.memory_space<vmem_shared>>)
      %add3A_126 = arith.constant 3 : i32
      %add3A_127 = arith.addi %add3A_107, %add3A_126 : i32
      %lt3A = arith.constant 125 : i32
      %lt3A_128 = arith.cmpi slt, %add3A_127, %lt3A : i32
      %convert_element_type3A = arith.extui %lt3A_128 : i1 to i32
      %cond3A = arith.constant 0 : i32
      %cond3A_129 = arith.cmpi ne, %convert_element_type3A, %cond3A : i32
      scf.if %cond3A_129 {
        %add3A_189 = arith.constant 3 : i32
        %add3A_190 = arith.addi %add3A_107, %add3A_189 : i32
        %dma_start3A_191 = arith.constant 0 : i32
        %dma_start3A_192 = tpu.memref_slice %arg6[%add3A_190, %dma_start3A_191] : memref<125x80xi32, #tpu.memory_space<vmem>> -> memref<1x80xi32, #tpu.memory_space<vmem>>
        %dma_start3A_193 = tpu.memref_squeeze %dma_start3A_192 : memref<1x80xi32, #tpu.memory_space<vmem>> -> memref<80xi32, #tpu.memory_space<vmem>>
        %dma_start3A_194 = arith.constant 0 : i32
        %dma_start3A_195 = arith.constant 0 : i32
        %dma_start3A_196 = tpu.memref_slice %arg2[%dma_start3A_194, %dma_start3A_195] : memref<80000x128xf32, #tpu.memory_space<hbm>> -> memref<80000x128xf32, #tpu.memory_space<hbm>>
        tpu.enqueue_indirect_dma source(%dma_start3A_196 : memref<80000x128xf32, #tpu.memory_space<hbm>>) target(%arg8 : memref<80x128xf32, #tpu.memory_space<vmem>>) offsets(%dma_start3A_193 : memref<80xi32, #tpu.memory_space<vmem>>) semaphore(%arg14 : memref<!tpu.dma_semaphore, #tpu.memory_space<semaphore_mem>>)
      } else {
      }
      %mul3A_130 = arith.constant 3 : i32
      %mul3A_131 = arith.muli %mul3A_130, %scan3A_102 : i32
      %add3A_132 = arith.constant 1 : i32
      %add3A_133 = arith.addi %mul3A_131, %add3A_132 : i32
      %dma_wait3A_134 = arith.constant 0 : i32
      %dma_wait3A_135 = tpu.memref_slice %arg6[%add3A_133, %dma_wait3A_134] : memref<125x80xi32, #tpu.memory_space<vmem>> -> memref<1x80xi32, #tpu.memory_space<vmem>>
      %dma_wait3A_136 = tpu.memref_squeeze %dma_wait3A_135 : memref<1x80xi32, #tpu.memory_space<vmem>> -> memref<80xi32, #tpu.memory_space<vmem>>
      %dma_wait3A_137 = arith.constant 0 : i32
      %dma_wait3A_138 = arith.constant 0 : i32
      %dma_wait3A_139 = tpu.memref_slice %arg2[%dma_wait3A_137, %dma_wait3A_138] : memref<80000x128xf32, #tpu.memory_space<hbm>> -> memref<80000x128xf32, #tpu.memory_space<hbm>>
      tpu.wait_indirect_dma semaphore(%arg15 : memref<!tpu.dma_semaphore, #tpu.memory_space<semaphore_mem>>) src(%dma_wait3A_139 : memref<80000x128xf32, #tpu.memory_space<hbm>>) dst(%arg9 : memref<80x128xf32, #tpu.memory_space<vmem>>)
      %dma_start3A_140 = arith.constant 0 : i32
      %dma_start3A_141 = tpu.memref_slice %arg7[%add3A_133, %dma_start3A_140] : memref<125x80xi32, #tpu.memory_space<vmem>> -> memref<1x80xi32, #tpu.memory_space<vmem>>
      %dma_start3A_142 = tpu.memref_squeeze %dma_start3A_141 : memref<1x80xi32, #tpu.memory_space<vmem>> -> memref<80xi32, #tpu.memory_space<vmem>>
      %dma_start3A_143 = arith.constant 0 : i32
      %dma_start3A_144 = arith.constant 0 : i32
      %dma_start3A_145 = tpu.memref_slice %arg11[%dma_start3A_143, %dma_start3A_144] : memref<10000x128xf32, #tpu.memory_space<vmem_shared>> -> memref<10000x128xf32, #tpu.memory_space<vmem_shared>>
      tpu.enqueue_indirect_dma source(%arg9 : memref<80x128xf32, #tpu.memory_space<vmem>>) target(%dma_start3A_145 : memref<10000x128xf32, #tpu.memory_space<vmem_shared>>) offsets(%dma_start3A_142 : memref<80xi32, #tpu.memory_space<vmem>>) semaphore(%arg18 : memref<!tpu.dma_semaphore, #tpu.memory_space<semaphore_mem>>) {add = true}
      %dma_wait3A_146 = arith.constant 0 : i32
      %dma_wait3A_147 = tpu.memref_slice %arg7[%add3A_133, %dma_wait3A_146] : memref<125x80xi32, #tpu.memory_space<vmem>> -> memref<1x80xi32, #tpu.memory_space<vmem>>
      %dma_wait3A_148 = tpu.memref_squeeze %dma_wait3A_147 : memref<1x80xi32, #tpu.memory_space<vmem>> -> memref<80xi32, #tpu.memory_space<vmem>>
      %dma_wait3A_149 = arith.constant 0 : i32
      %dma_wait3A_150 = arith.constant 0 : i32
      %dma_wait3A_151 = tpu.memref_slice %arg11[%dma_wait3A_149, %dma_wait3A_150] : memref<10000x128xf32, #tpu.memory_space<vmem_shared>> -> memref<10000x128xf32, #tpu.memory_space<vmem_shared>>
      tpu.wait_indirect_dma semaphore(%arg18 : memref<!tpu.dma_semaphore, #tpu.memory_space<semaphore_mem>>) src(%arg9 : memref<80x128xf32, #tpu.memory_space<vmem>>) dst(%dma_wait3A_151 : memref<10000x128xf32, #tpu.memory_space<vmem_shared>>)
      %add3A_152 = arith.constant 3 : i32
      %add3A_153 = arith.addi %add3A_133, %add3A_152 : i32
      %lt3A_154 = arith.constant 125 : i32
      %lt3A_155 = arith.cmpi slt, %add3A_153, %lt3A_154 : i32
      %convert_element_type3A_156 = arith.extui %lt3A_155 : i1 to i32
      %cond3A_157 = arith.constant 0 : i32
      %cond3A_158 = arith.cmpi ne, %convert_element_type3A_156, %cond3A_157 : i32
      scf.if %cond3A_158 {
        %add3A_189 = arith.constant 3 : i32
        %add3A_190 = arith.addi %add3A_133, %add3A_189 : i32
        %dma_start3A_191 = arith.constant 0 : i32
        %dma_start3A_192 = tpu.memref_slice %arg6[%add3A_190, %dma_start3A_191] : memref<125x80xi32, #tpu.memory_space<vmem>> -> memref<1x80xi32, #tpu.memory_space<vmem>>
        %dma_start3A_193 = tpu.memref_squeeze %dma_start3A_192 : memref<1x80xi32, #tpu.memory_space<vmem>> -> memref<80xi32, #tpu.memory_space<vmem>>
        %dma_start3A_194 = arith.constant 0 : i32
        %dma_start3A_195 = arith.constant 0 : i32
        %dma_start3A_196 = tpu.memref_slice %arg2[%dma_start3A_194, %dma_start3A_195] : memref<80000x128xf32, #tpu.memory_space<hbm>> -> memref<80000x128xf32, #tpu.memory_space<hbm>>
        tpu.enqueue_indirect_dma source(%dma_start3A_196 : memref<80000x128xf32, #tpu.memory_space<hbm>>) target(%arg9 : memref<80x128xf32, #tpu.memory_space<vmem>>) offsets(%dma_start3A_193 : memref<80xi32, #tpu.memory_space<vmem>>) semaphore(%arg15 : memref<!tpu.dma_semaphore, #tpu.memory_space<semaphore_mem>>)
      } else {
      }
      %mul3A_159 = arith.constant 3 : i32
      %mul3A_160 = arith.muli %mul3A_159, %scan3A_102 : i32
      %add3A_161 = arith.constant 2 : i32
      %add3A_162 = arith.addi %mul3A_160, %add3A_161 : i32
      %dma_wait3A_163 = arith.constant 0 : i32
      %dma_wait3A_164 = tpu.memref_slice %arg6[%add3A_162, %dma_wait3A_163] : memref<125x80xi32, #tpu.memory_space<vmem>> -> memref<1x80xi32, #tpu.memory_space<vmem>>
      %dma_wait3A_165 = tpu.memref_squeeze %dma_wait3A_164 : memref<1x80xi32, #tpu.memory_space<vmem>> -> memref<80xi32, #tpu.memory_space<vmem>>
      %dma_wait3A_166 = arith.constant 0 : i32
      %dma_wait3A_167 = arith.constant 0 : i32
      %dma_wait3A_168 = tpu.memref_slice %arg2[%dma_wait3A_166, %dma_wait3A_167] : memref<80000x128xf32, #tpu.memory_space<hbm>> -> memref<80000x128xf32, #tpu.memory_space<hbm>>
      tpu.wait_indirect_dma semaphore(%arg16 : memref<!tpu.dma_semaphore, #tpu.memory_space<semaphore_mem>>) src(%dma_wait3A_168 : memref<80000x128xf32, #tpu.memory_space<hbm>>) dst(%arg10 : memref<80x128xf32, #tpu.memory_space<vmem>>)
      %dma_start3A_169 = arith.constant 0 : i32
      %dma_start3A_170 = tpu.memref_slice %arg7[%add3A_162, %dma_start3A_169] : memref<125x80xi32, #tpu.memory_space<vmem>> -> memref<1x80xi32, #tpu.memory_space<vmem>>
      %dma_start3A_171 = tpu.memref_squeeze %dma_start3A_170 : memref<1x80xi32, #tpu.memory_space<vmem>> -> memref<80xi32, #tpu.memory_space<vmem>>
      %dma_start3A_172 = arith.constant 0 : i32
      %dma_start3A_173 = arith.constant 0 : i32
      %dma_start3A_174 = tpu.memref_slice %arg11[%dma_start3A_172, %dma_start3A_173] : memref<10000x128xf32, #tpu.memory_space<vmem_shared>> -> memref<10000x128xf32, #tpu.memory_space<vmem_shared>>
      tpu.enqueue_indirect_dma source(%arg10 : memref<80x128xf32, #tpu.memory_space<vmem>>) target(%dma_start3A_174 : memref<10000x128xf32, #tpu.memory_space<vmem_shared>>) offsets(%dma_start3A_171 : memref<80xi32, #tpu.memory_space<vmem>>) semaphore(%arg19 : memref<!tpu.dma_semaphore, #tpu.memory_space<semaphore_mem>>) {add = true}
      %dma_wait3A_175 = arith.constant 0 : i32
      %dma_wait3A_176 = tpu.memref_slice %arg7[%add3A_162, %dma_wait3A_175] : memref<125x80xi32, #tpu.memory_space<vmem>> -> memref<1x80xi32, #tpu.memory_space<vmem>>
      %dma_wait3A_177 = tpu.memref_squeeze %dma_wait3A_176 : memref<1x80xi32, #tpu.memory_space<vmem>> -> memref<80xi32, #tpu.memory_space<vmem>>
      %dma_wait3A_178 = arith.constant 0 : i32
      %dma_wait3A_179 = arith.constant 0 : i32
      %dma_wait3A_180 = tpu.memref_slice %arg11[%dma_wait3A_178, %dma_wait3A_179] : memref<10000x128xf32, #tpu.memory_space<vmem_shared>> -> memref<10000x128xf32, #tpu.memory_space<vmem_shared>>
      tpu.wait_indirect_dma semaphore(%arg19 : memref<!tpu.dma_semaphore, #tpu.memory_space<semaphore_mem>>) src(%arg10 : memref<80x128xf32, #tpu.memory_space<vmem>>) dst(%dma_wait3A_180 : memref<10000x128xf32, #tpu.memory_space<vmem_shared>>)
      %add3A_181 = arith.constant 3 : i32
      %add3A_182 = arith.addi %add3A_162, %add3A_181 : i32
      %lt3A_183 = arith.constant 125 : i32
      %lt3A_184 = arith.cmpi slt, %add3A_182, %lt3A_183 : i32
      %convert_element_type3A_185 = arith.extui %lt3A_184 : i1 to i32
      %cond3A_186 = arith.constant 0 : i32
      %cond3A_187 = arith.cmpi ne, %convert_element_type3A_185, %cond3A_186 : i32
      scf.if %cond3A_187 {
        %add3A_189 = arith.constant 3 : i32
        %add3A_190 = arith.addi %add3A_162, %add3A_189 : i32
        %dma_start3A_191 = arith.constant 0 : i32
        %dma_start3A_192 = tpu.memref_slice %arg6[%add3A_190, %dma_start3A_191] : memref<125x80xi32, #tpu.memory_space<vmem>> -> memref<1x80xi32, #tpu.memory_space<vmem>>
        %dma_start3A_193 = tpu.memref_squeeze %dma_start3A_192 : memref<1x80xi32, #tpu.memory_space<vmem>> -> memref<80xi32, #tpu.memory_space<vmem>>
        %dma_start3A_194 = arith.constant 0 : i32
        %dma_start3A_195 = arith.constant 0 : i32
        %dma_start3A_196 = tpu.memref_slice %arg2[%dma_start3A_194, %dma_start3A_195] : memref<80000x128xf32, #tpu.memory_space<hbm>> -> memref<80000x128xf32, #tpu.memory_space<hbm>>
        tpu.enqueue_indirect_dma source(%dma_start3A_196 : memref<80000x128xf32, #tpu.memory_space<hbm>>) target(%arg10 : memref<80x128xf32, #tpu.memory_space<vmem>>) offsets(%dma_start3A_193 : memref<80xi32, #tpu.memory_space<vmem>>) semaphore(%arg16 : memref<!tpu.dma_semaphore, #tpu.memory_space<semaphore_mem>>)
      } else {
      }
      %scan3A_188 = arith.constant 0 : i32
      scf.yield %scan3A_188 : i32
    }
    %scan3A_71 = arith.constant 41 : i32
    %dma_wait3A_72 = arith.constant 123 : i32
    %dma_wait3A_73 = arith.constant 0 : i32
    %dma_wait3A_74 = tpu.memref_slice %arg6[%dma_wait3A_72, %dma_wait3A_73] : memref<125x80xi32, #tpu.memory_space<vmem>> -> memref<1x80xi32, #tpu.memory_space<vmem>>
    %dma_wait3A_75 = tpu.memref_squeeze %dma_wait3A_74 : memref<1x80xi32, #tpu.memory_space<vmem>> -> memref<80xi32, #tpu.memory_space<vmem>>
    %dma_wait3A_76 = arith.constant 0 : i32
    %dma_wait3A_77 = arith.constant 0 : i32
    %dma_wait3A_78 = tpu.memref_slice %arg2[%dma_wait3A_76, %dma_wait3A_77] : memref<80000x128xf32, #tpu.memory_space<hbm>> -> memref<80000x128xf32, #tpu.memory_space<hbm>>
    tpu.wait_indirect_dma semaphore(%arg14 : memref<!tpu.dma_semaphore, #tpu.memory_space<semaphore_mem>>) src(%dma_wait3A_78 : memref<80000x128xf32, #tpu.memory_space<hbm>>) dst(%arg8 : memref<80x128xf32, #tpu.memory_space<vmem>>)
    %run_scoped3A = arith.constant 123 : i32
    "tpu.region"() ({
      %run_scoped3A_102 = tpu.sem_alloc : memref<!tpu.dma_semaphore, #tpu.memory_space<semaphore_mem>>
      %dma_start3A_103 = arith.constant 0 : i32
      %dma_start3A_104 = tpu.memref_slice %arg7[%run_scoped3A, %dma_start3A_103] : memref<125x80xi32, #tpu.memory_space<vmem>> -> memref<1x80xi32, #tpu.memory_space<vmem>>
      %dma_start3A_105 = tpu.memref_squeeze %dma_start3A_104 : memref<1x80xi32, #tpu.memory_space<vmem>> -> memref<80xi32, #tpu.memory_space<vmem>>
      %dma_start3A_106 = arith.constant 0 : i32
      %dma_start3A_107 = arith.constant 0 : i32
      %dma_start3A_108 = tpu.memref_slice %arg11[%dma_start3A_106, %dma_start3A_107] : memref<10000x128xf32, #tpu.memory_space<vmem_shared>> -> memref<10000x128xf32, #tpu.memory_space<vmem_shared>>
      tpu.enqueue_indirect_dma source(%arg8 : memref<80x128xf32, #tpu.memory_space<vmem>>) target(%dma_start3A_108 : memref<10000x128xf32, #tpu.memory_space<vmem_shared>>) offsets(%dma_start3A_105 : memref<80xi32, #tpu.memory_space<vmem>>) semaphore(%run_scoped3A_102 : memref<!tpu.dma_semaphore, #tpu.memory_space<semaphore_mem>>) {add = true}
      %dma_wait3A_109 = arith.constant 0 : i32
      %dma_wait3A_110 = tpu.memref_slice %arg7[%run_scoped3A, %dma_wait3A_109] : memref<125x80xi32, #tpu.memory_space<vmem>> -> memref<1x80xi32, #tpu.memory_space<vmem>>
      %dma_wait3A_111 = tpu.memref_squeeze %dma_wait3A_110 : memref<1x80xi32, #tpu.memory_space<vmem>> -> memref<80xi32, #tpu.memory_space<vmem>>
      %dma_wait3A_112 = arith.constant 0 : i32
      %dma_wait3A_113 = arith.constant 0 : i32
      %dma_wait3A_114 = tpu.memref_slice %arg11[%dma_wait3A_112, %dma_wait3A_113] : memref<10000x128xf32, #tpu.memory_space<vmem_shared>> -> memref<10000x128xf32, #tpu.memory_space<vmem_shared>>
      tpu.wait_indirect_dma semaphore(%run_scoped3A_102 : memref<!tpu.dma_semaphore, #tpu.memory_space<semaphore_mem>>) src(%arg8 : memref<80x128xf32, #tpu.memory_space<vmem>>) dst(%dma_wait3A_114 : memref<10000x128xf32, #tpu.memory_space<vmem_shared>>)
      tpu.yield
    }) : () -> ()
    %dma_wait3A_79 = arith.constant 124 : i32
    %dma_wait3A_80 = arith.constant 0 : i32
    %dma_wait3A_81 = tpu.memref_slice %arg6[%dma_wait3A_79, %dma_wait3A_80] : memref<125x80xi32, #tpu.memory_space<vmem>> -> memref<1x80xi32, #tpu.memory_space<vmem>>
    %dma_wait3A_82 = tpu.memref_squeeze %dma_wait3A_81 : memref<1x80xi32, #tpu.memory_space<vmem>> -> memref<80xi32, #tpu.memory_space<vmem>>
    %dma_wait3A_83 = arith.constant 0 : i32
    %dma_wait3A_84 = arith.constant 0 : i32
    %dma_wait3A_85 = tpu.memref_slice %arg2[%dma_wait3A_83, %dma_wait3A_84] : memref<80000x128xf32, #tpu.memory_space<hbm>> -> memref<80000x128xf32, #tpu.memory_space<hbm>>
    tpu.wait_indirect_dma semaphore(%arg15 : memref<!tpu.dma_semaphore, #tpu.memory_space<semaphore_mem>>) src(%dma_wait3A_85 : memref<80000x128xf32, #tpu.memory_space<hbm>>) dst(%arg9 : memref<80x128xf32, #tpu.memory_space<vmem>>)
    %run_scoped3A_86 = arith.constant 124 : i32
    "tpu.region"() ({
      %run_scoped3A_102 = tpu.sem_alloc : memref<!tpu.dma_semaphore, #tpu.memory_space<semaphore_mem>>
      %dma_start3A_103 = arith.constant 0 : i32
      %dma_start3A_104 = tpu.memref_slice %arg7[%run_scoped3A_86, %dma_start3A_103] : memref<125x80xi32, #tpu.memory_space<vmem>> -> memref<1x80xi32, #tpu.memory_space<vmem>>
      %dma_start3A_105 = tpu.memref_squeeze %dma_start3A_104 : memref<1x80xi32, #tpu.memory_space<vmem>> -> memref<80xi32, #tpu.memory_space<vmem>>
      %dma_start3A_106 = arith.constant 0 : i32
      %dma_start3A_107 = arith.constant 0 : i32
      %dma_start3A_108 = tpu.memref_slice %arg11[%dma_start3A_106, %dma_start3A_107] : memref<10000x128xf32, #tpu.memory_space<vmem_shared>> -> memref<10000x128xf32, #tpu.memory_space<vmem_shared>>
      tpu.enqueue_indirect_dma source(%arg9 : memref<80x128xf32, #tpu.memory_space<vmem>>) target(%dma_start3A_108 : memref<10000x128xf32, #tpu.memory_space<vmem_shared>>) offsets(%dma_start3A_105 : memref<80xi32, #tpu.memory_space<vmem>>) semaphore(%run_scoped3A_102 : memref<!tpu.dma_semaphore, #tpu.memory_space<semaphore_mem>>) {add = true}
      %dma_wait3A_109 = arith.constant 0 : i32
      %dma_wait3A_110 = tpu.memref_slice %arg7[%run_scoped3A_86, %dma_wait3A_109] : memref<125x80xi32, #tpu.memory_space<vmem>> -> memref<1x80xi32, #tpu.memory_space<vmem>>
      %dma_wait3A_111 = tpu.memref_squeeze %dma_wait3A_110 : memref<1x80xi32, #tpu.memory_space<vmem>> -> memref<80xi32, #tpu.memory_space<vmem>>
      %dma_wait3A_112 = arith.constant 0 : i32
      %dma_wait3A_113 = arith.constant 0 : i32
      %dma_wait3A_114 = tpu.memref_slice %arg11[%dma_wait3A_112, %dma_wait3A_113] : memref<10000x128xf32, #tpu.memory_space<vmem_shared>> -> memref<10000x128xf32, #tpu.memory_space<vmem_shared>>
      tpu.wait_indirect_dma semaphore(%run_scoped3A_102 : memref<!tpu.dma_semaphore, #tpu.memory_space<semaphore_mem>>) src(%arg9 : memref<80x128xf32, #tpu.memory_space<vmem>>) dst(%dma_wait3A_114 : memref<10000x128xf32, #tpu.memory_space<vmem_shared>>)
      tpu.yield
    }) : () -> ()
    %barrier3A_87 = arith.constant 0 : index
    tpu.barrier barrier_id(%barrier3A_87)
    %scan3A_88 = arith.constant 0 : i32
    %scan3A_89 = arith.constant 0 : i32
    %scan3A_90 = arith.constant 8 : i32
    %scan3A_91 = arith.addi %scan3A_89, %scan3A_90 : i32
    %scan3A_92 = arith.constant 1 : i32
    %scan3A_93 = scf.for %scan3A_102 = %scan3A_89 to %scan3A_91 step %scan3A_92 iter_args(%scan3A_103 = %scan3A_88) -> (i32)  : i32 {
      %mul3A_104 = arith.constant 16 : i32
      %mul3A_105 = arith.muli %scan3A_102, %mul3A_104 : i32
      %add3A_106 = arith.addi %mul3A_105, %arg1 : i32
      %lt3A = arith.constant 125 : i32
      %lt3A_107 = arith.cmpi slt, %add3A_106, %lt3A : i32
      %convert_element_type3A = arith.extui %lt3A_107 : i1 to i32
      %cond3A = arith.constant 0 : i32
      %cond3A_108 = arith.cmpi ne, %convert_element_type3A, %cond3A : i32
      scf.if %cond3A_108 {
        %mul3A_110 = arith.constant 80 : i32
        %mul3A_111 = arith.muli %add3A_106, %mul3A_110 : i32
        %dma_start3A_112 = arith.constant 0 : i32
        %dma_start3A_113 = tpu.memref_slice %arg5[%arg0, %mul3A_111, %dma_start3A_112] : memref<2x10000x128xf32, #tpu.memory_space<hbm>> -> memref<1x80x128xf32, #tpu.memory_space<hbm>>
        %dma_start3A_114 = tpu.memref_squeeze %dma_start3A_113 : memref<1x80x128xf32, #tpu.memory_space<hbm>> -> memref<80x128xf32, #tpu.memory_space<hbm>>
        %dma_start3A_115 = arith.constant 0 : i32
        %dma_start3A_116 = tpu.memref_slice %arg11[%mul3A_111, %dma_start3A_115] : memref<10000x128xf32, #tpu.memory_space<vmem_shared>> -> memref<80x128xf32, #tpu.memory_space<vmem_shared>>
        tpu.enqueue_dma source(%dma_start3A_116 : memref<80x128xf32, #tpu.memory_space<vmem_shared>>) target(%dma_start3A_114 : memref<80x128xf32, #tpu.memory_space<hbm>>) target_semaphore(%arg13 : memref<!tpu.dma_semaphore, #tpu.memory_space<semaphore_mem>>)
      } else {
      }
      %scan3A_109 = arith.constant 0 : i32
      scf.yield %scan3A_109 : i32
    }
    %scan3A_94 = arith.constant 8 : i32
    %scan3A_95 = arith.constant 0 : i32
    %scan3A_96 = arith.constant 0 : i32
    %scan3A_97 = arith.constant 8 : i32
    %scan3A_98 = arith.addi %scan3A_96, %scan3A_97 : i32
    %scan3A_99 = arith.constant 1 : i32
    %scan3A_100 = scf.for %scan3A_102 = %scan3A_96 to %scan3A_98 step %scan3A_99 iter_args(%scan3A_103 = %scan3A_95) -> (i32)  : i32 {
      %mul3A_104 = arith.constant 16 : i32
      %mul3A_105 = arith.muli %scan3A_102, %mul3A_104 : i32
      %add3A_106 = arith.addi %mul3A_105, %arg1 : i32
      %lt3A = arith.constant 125 : i32
      %lt3A_107 = arith.cmpi slt, %add3A_106, %lt3A : i32
      %convert_element_type3A = arith.extui %lt3A_107 : i1 to i32
      %cond3A = arith.constant 0 : i32
      %cond3A_108 = arith.cmpi ne, %convert_element_type3A, %cond3A : i32
      scf.if %cond3A_108 {
        %mul3A_110 = arith.constant 80 : i32
        %mul3A_111 = arith.muli %add3A_106, %mul3A_110 : i32
        %dma_wait3A_112 = arith.constant 0 : i32
        %dma_wait3A_113 = tpu.memref_slice %arg5[%arg0, %mul3A_111, %dma_wait3A_112] : memref<2x10000x128xf32, #tpu.memory_space<hbm>> -> memref<1x80x128xf32, #tpu.memory_space<hbm>>
        %dma_wait3A_114 = tpu.memref_squeeze %dma_wait3A_113 : memref<1x80x128xf32, #tpu.memory_space<hbm>> -> memref<80x128xf32, #tpu.memory_space<hbm>>
        %dma_wait3A_115 = arith.constant 0 : i32
        %dma_wait3A_116 = tpu.memref_slice %arg11[%mul3A_111, %dma_wait3A_115] : memref<10000x128xf32, #tpu.memory_space<vmem_shared>> -> memref<80x128xf32, #tpu.memory_space<vmem_shared>>
        tpu.wait_dma2 semaphore(%arg13 : memref<!tpu.dma_semaphore, #tpu.memory_space<semaphore_mem>>) src(%dma_wait3A_116 : memref<80x128xf32, #tpu.memory_space<vmem_shared>>) dst(%dma_wait3A_114 : memref<80x128xf32, #tpu.memory_space<hbm>>)
      } else {
      }
      %scan3A_109 = arith.constant 0 : i32
      scf.yield %scan3A_109 : i32
    }
    %scan3A_101 = arith.constant 8 : i32
    return
  }
}

module attributes {stable_mosaic.version = 14 : i64} {
  func.func @_stage1_body(%arg0: i32, %arg1: memref<10000x128xf32, #tpu.memory_space<vmem>>, %arg2: memref<8x128x128xf32, #tpu.memory_space<vmem>>, %arg3: memref<8x8xf32, #tpu.memory_space<smem>>, %arg4: memref<128x128xf32, #tpu.memory_space<vmem>>, %arg5: memref<1x128xf32, #tpu.memory_space<vmem>>, %arg6: memref<1x10000x128xf32, #tpu.memory_space<vmem>>, %arg7: memref<10000x128xf32, #tpu.memory_space<vmem>>) attributes {dimension_semantics = [#tpu.dimension_semantics<arbitrary>], iteration_bounds = array<i64: 8>, scalar_prefetch = 0 : i64, scratch_operands = 0 : i64, tpu.core_type = #tpu.core_type<tc>, window_params = [{pipeline_mode = #tpu.pipeline_mode<synchronous>, transform_indices = @transform_0, window_bounds = array<i64: 10000, 128>}, {pipeline_mode = #tpu.pipeline_mode<synchronous>, transform_indices = @transform_1, window_bounds = array<i64: 8, 128, 128>}, {transform_indices = @transform_2, window_bounds = array<i64: 8, 8>}, {pipeline_mode = #tpu.pipeline_mode<synchronous>, transform_indices = @transform_3, window_bounds = array<i64: 128, 128>}, {pipeline_mode = #tpu.pipeline_mode<synchronous>, transform_indices = @transform_4, window_bounds = array<i64: 1, 128>}, {transform_indices = @transform_5, window_bounds = array<i64: 1, 10000, 128>}, {pipeline_mode = #tpu.pipeline_mode<synchronous>, transform_indices = @transform_6, window_bounds = array<i64: 10000, 128>}]} {
    %get3A = arith.index_cast %arg0 : i32 to index
    %get3A_0 = arith.constant 0 : index
    %get3A_1 = memref.load %arg3[%get3A, %get3A_0] : memref<8x8xf32, #tpu.memory_space<smem>>
    %get3A_2 = arith.constant 0 : index
    %get3A_3 = arith.constant 0 : index
    %get3A_4 = arith.constant 0 : index
    %get3A_5 = vector.load %arg2[%get3A_2, %get3A_3, %get3A_4] : memref<8x128x128xf32, #tpu.memory_space<vmem>>, vector<1x128x128xf32>
    %get3A_6 = vector.shape_cast %get3A_5 : vector<1x128x128xf32> to vector<128x128xf32>
    %mul3A = vector.broadcast %get3A_1 : f32 to vector<128x128xf32>
    %mul3A_7 = arith.mulf %mul3A, %get3A_6 : vector<128x128xf32>
    %get3A_8 = arith.index_cast %arg0 : i32 to index
    %get3A_9 = arith.constant 1 : index
    %get3A_10 = memref.load %arg3[%get3A_8, %get3A_9] : memref<8x8xf32, #tpu.memory_space<smem>>
    %get3A_11 = arith.constant 1 : index
    %get3A_12 = arith.constant 0 : index
    %get3A_13 = arith.constant 0 : index
    %get3A_14 = vector.load %arg2[%get3A_11, %get3A_12, %get3A_13] : memref<8x128x128xf32, #tpu.memory_space<vmem>>, vector<1x128x128xf32>
    %get3A_15 = vector.shape_cast %get3A_14 : vector<1x128x128xf32> to vector<128x128xf32>
    %mul3A_16 = vector.broadcast %get3A_10 : f32 to vector<128x128xf32>
    %mul3A_17 = arith.mulf %mul3A_16, %get3A_15 : vector<128x128xf32>
    %add3A = arith.addf %mul3A_7, %mul3A_17 : vector<128x128xf32>
    %get3A_18 = arith.index_cast %arg0 : i32 to index
    %get3A_19 = arith.constant 2 : index
    %get3A_20 = memref.load %arg3[%get3A_18, %get3A_19] : memref<8x8xf32, #tpu.memory_space<smem>>
    %get3A_21 = arith.constant 2 : index
    %get3A_22 = arith.constant 0 : index
    %get3A_23 = arith.constant 0 : index
    %get3A_24 = vector.load %arg2[%get3A_21, %get3A_22, %get3A_23] : memref<8x128x128xf32, #tpu.memory_space<vmem>>, vector<1x128x128xf32>
    %get3A_25 = vector.shape_cast %get3A_24 : vector<1x128x128xf32> to vector<128x128xf32>
    %mul3A_26 = vector.broadcast %get3A_20 : f32 to vector<128x128xf32>
    %mul3A_27 = arith.mulf %mul3A_26, %get3A_25 : vector<128x128xf32>
    %add3A_28 = arith.addf %add3A, %mul3A_27 : vector<128x128xf32>
    %get3A_29 = arith.index_cast %arg0 : i32 to index
    %get3A_30 = arith.constant 3 : index
    %get3A_31 = memref.load %arg3[%get3A_29, %get3A_30] : memref<8x8xf32, #tpu.memory_space<smem>>
    %get3A_32 = arith.constant 3 : index
    %get3A_33 = arith.constant 0 : index
    %get3A_34 = arith.constant 0 : index
    %get3A_35 = vector.load %arg2[%get3A_32, %get3A_33, %get3A_34] : memref<8x128x128xf32, #tpu.memory_space<vmem>>, vector<1x128x128xf32>
    %get3A_36 = vector.shape_cast %get3A_35 : vector<1x128x128xf32> to vector<128x128xf32>
    %mul3A_37 = vector.broadcast %get3A_31 : f32 to vector<128x128xf32>
    %mul3A_38 = arith.mulf %mul3A_37, %get3A_36 : vector<128x128xf32>
    %add3A_39 = arith.addf %add3A_28, %mul3A_38 : vector<128x128xf32>
    %get3A_40 = arith.index_cast %arg0 : i32 to index
    %get3A_41 = arith.constant 4 : index
    %get3A_42 = memref.load %arg3[%get3A_40, %get3A_41] : memref<8x8xf32, #tpu.memory_space<smem>>
    %get3A_43 = arith.constant 4 : index
    %get3A_44 = arith.constant 0 : index
    %get3A_45 = arith.constant 0 : index
    %get3A_46 = vector.load %arg2[%get3A_43, %get3A_44, %get3A_45] : memref<8x128x128xf32, #tpu.memory_space<vmem>>, vector<1x128x128xf32>
    %get3A_47 = vector.shape_cast %get3A_46 : vector<1x128x128xf32> to vector<128x128xf32>
    %mul3A_48 = vector.broadcast %get3A_42 : f32 to vector<128x128xf32>
    %mul3A_49 = arith.mulf %mul3A_48, %get3A_47 : vector<128x128xf32>
    %add3A_50 = arith.addf %add3A_39, %mul3A_49 : vector<128x128xf32>
    %get3A_51 = arith.index_cast %arg0 : i32 to index
    %get3A_52 = arith.constant 5 : index
    %get3A_53 = memref.load %arg3[%get3A_51, %get3A_52] : memref<8x8xf32, #tpu.memory_space<smem>>
    %get3A_54 = arith.constant 5 : index
    %get3A_55 = arith.constant 0 : index
    %get3A_56 = arith.constant 0 : index
    %get3A_57 = vector.load %arg2[%get3A_54, %get3A_55, %get3A_56] : memref<8x128x128xf32, #tpu.memory_space<vmem>>, vector<1x128x128xf32>
    %get3A_58 = vector.shape_cast %get3A_57 : vector<1x128x128xf32> to vector<128x128xf32>
    %mul3A_59 = vector.broadcast %get3A_53 : f32 to vector<128x128xf32>
    %mul3A_60 = arith.mulf %mul3A_59, %get3A_58 : vector<128x128xf32>
    %add3A_61 = arith.addf %add3A_50, %mul3A_60 : vector<128x128xf32>
    %get3A_62 = arith.index_cast %arg0 : i32 to index
    %get3A_63 = arith.constant 6 : index
    %get3A_64 = memref.load %arg3[%get3A_62, %get3A_63] : memref<8x8xf32, #tpu.memory_space<smem>>
    %get3A_65 = arith.constant 6 : index
    %get3A_66 = arith.constant 0 : index
    %get3A_67 = arith.constant 0 : index
    %get3A_68 = vector.load %arg2[%get3A_65, %get3A_66, %get3A_67] : memref<8x128x128xf32, #tpu.memory_space<vmem>>, vector<1x128x128xf32>
    %get3A_69 = vector.shape_cast %get3A_68 : vector<1x128x128xf32> to vector<128x128xf32>
    %mul3A_70 = vector.broadcast %get3A_64 : f32 to vector<128x128xf32>
    %mul3A_71 = arith.mulf %mul3A_70, %get3A_69 : vector<128x128xf32>
    %add3A_72 = arith.addf %add3A_61, %mul3A_71 : vector<128x128xf32>
    %get3A_73 = arith.index_cast %arg0 : i32 to index
    %get3A_74 = arith.constant 7 : index
    %get3A_75 = memref.load %arg3[%get3A_73, %get3A_74] : memref<8x8xf32, #tpu.memory_space<smem>>
    %get3A_76 = arith.constant 7 : index
    %get3A_77 = arith.constant 0 : index
    %get3A_78 = arith.constant 0 : index
    %get3A_79 = vector.load %arg2[%get3A_76, %get3A_77, %get3A_78] : memref<8x128x128xf32, #tpu.memory_space<vmem>>, vector<1x128x128xf32>
    %get3A_80 = vector.shape_cast %get3A_79 : vector<1x128x128xf32> to vector<128x128xf32>
    %mul3A_81 = vector.broadcast %get3A_75 : f32 to vector<128x128xf32>
    %mul3A_82 = arith.mulf %mul3A_81, %get3A_80 : vector<128x128xf32>
    %add3A_83 = arith.addf %add3A_72, %mul3A_82 : vector<128x128xf32>
    %get3A_84 = arith.constant 0 : index
    %get3A_85 = arith.constant 0 : index
    %get3A_86 = vector.load %arg1[%get3A_84, %get3A_85] : memref<10000x128xf32, #tpu.memory_space<vmem>>, vector<10000x128xf32>
    %dot_general3A = arith.constant dense<0.000000e+00> : vector<10000x128xf32>
    %dot_general3A_87 = tpu.matmul %get3A_86, %add3A_83, %dot_general3A {dimension_numbers = #tpu.dot_dimension_numbers<[1], [0], [0], [1], [0, 0, 1, 1], [], []>, transpose_lhs_hint = false} : vector<10000x128xf32>, vector<128x128xf32>, vector<10000x128xf32> -> vector<10000x128xf32>
    %swap3A = arith.constant 0 : index
    %swap3A_88 = arith.constant 0 : index
    %swap3A_89 = arith.constant 0 : index
    %swap3A_90 = vector.load %arg6[%swap3A, %swap3A_88, %swap3A_89] : memref<1x10000x128xf32, #tpu.memory_space<vmem>>, vector<1x10000x128xf32>
    %swap3A_91 = vector.shape_cast %swap3A_90 : vector<1x10000x128xf32> to vector<10000x128xf32>
    %swap3A_92 = vector.shape_cast %dot_general3A_87 : vector<10000x128xf32> to vector<1x10000x128xf32>
    tpu.vector_store %arg6[%swap3A, %swap3A_88, %swap3A_89], %swap3A_92 {strides = array<i32>} : memref<1x10000x128xf32, #tpu.memory_space<vmem>>, vector<1x10000x128xf32>,
    %eq3A = arith.constant 0 : i32
    %eq3A_93 = arith.cmpi eq, %arg0, %eq3A : i32
    %convert_element_type3A = arith.extui %eq3A_93 : i1 to i32
    %cond3A = arith.constant 0 : i32
    %cond3A_94 = arith.cmpi ne, %convert_element_type3A, %cond3A : i32
    scf.if %cond3A_94 {
      %get3A_95 = arith.constant 0 : index
      %get3A_96 = arith.constant 0 : index
      %get3A_97 = vector.load %arg1[%get3A_95, %get3A_96] : memref<10000x128xf32, #tpu.memory_space<vmem>>, vector<10000x128xf32>
      %get3A_98 = arith.constant 0 : index
      %get3A_99 = arith.constant 0 : index
      %get3A_100 = vector.load %arg4[%get3A_98, %get3A_99] : memref<128x128xf32, #tpu.memory_space<vmem>>, vector<128x128xf32>
      %dot_general3A_101 = arith.constant dense<0.000000e+00> : vector<10000x128xf32>
      %dot_general3A_102 = tpu.matmul %get3A_97, %get3A_100, %dot_general3A_101 {dimension_numbers = #tpu.dot_dimension_numbers<[1], [0], [0], [1], [0, 0, 1, 1], [], []>, transpose_lhs_hint = false} : vector<10000x128xf32>, vector<128x128xf32>, vector<10000x128xf32> -> vector<10000x128xf32>
      %get3A_103 = arith.constant 0 : index
      %get3A_104 = arith.constant 0 : index
      %get3A_105 = vector.load %arg5[%get3A_103, %get3A_104] : memref<1x128xf32, #tpu.memory_space<vmem>>, vector<1x128xf32>
      %get3A_106 = vector.shape_cast %get3A_105 : vector<1x128xf32> to vector<128xf32>
      %broadcast_in_dim3A = vector.shape_cast %get3A_106 : vector<128xf32> to vector<1x128xf32>
      %add3A_107 = vector.broadcast %broadcast_in_dim3A : vector<1x128xf32> to vector<10000x128xf32>
      %add3A_108 = arith.addf %dot_general3A_102, %add3A_107 : vector<10000x128xf32>
      %swap3A_109 = arith.constant 0 : index
      %swap3A_110 = arith.constant 0 : index
      %swap3A_111 = vector.load %arg7[%swap3A_109, %swap3A_110] : memref<10000x128xf32, #tpu.memory_space<vmem>>, vector<10000x128xf32>
      tpu.vector_store %arg7[%swap3A_109, %swap3A_110], %add3A_108 {strides = array<i32>} : memref<10000x128xf32, #tpu.memory_space<vmem>>, vector<10000x128xf32>,
    } else {
    }
    return
  }
  func.func @transform_0(%arg0: i32) -> (i32, i32) {
    %c0_i32 = arith.constant 0 : i32
    %c0_i32_0 = arith.constant 0 : i32
    %c0_i32_1 = arith.constant 0 : i32
    return %c0_i32, %c0_i32_0 : i32, i32
  }
  func.func @transform_1(%arg0: i32) -> (i32, i32, i32) {
    %c0_i32 = arith.constant 0 : i32
    %c0_i32_0 = arith.constant 0 : i32
    %c0_i32_1 = arith.constant 0 : i32
    %c0_i32_2 = arith.constant 0 : i32
    return %c0_i32, %c0_i32_0, %c0_i32_1 : i32, i32, i32
  }
  func.func @transform_2(%arg0: i32) -> (i32, i32) {
    %c0_i32 = arith.constant 0 : i32
    %c0_i32_0 = arith.constant 0 : i32
    %c0_i32_1 = arith.constant 0 : i32
    return %c0_i32, %c0_i32_0 : i32, i32
  }
  func.func @transform_3(%arg0: i32) -> (i32, i32) {
    %c0_i32 = arith.constant 0 : i32
    %c0_i32_0 = arith.constant 0 : i32
    %c0_i32_1 = arith.constant 0 : i32
    return %c0_i32, %c0_i32_0 : i32, i32
  }
  func.func @transform_4(%arg0: i32) -> (i32, i32) {
    %c0_i32 = arith.constant 0 : i32
    %c0_i32_0 = arith.constant 0 : i32
    %c0_i32_1 = arith.constant 0 : i32
    return %c0_i32, %c0_i32_0 : i32, i32
  }
  func.func @transform_5(%arg0: i32) -> (i32, i32, i32) {
    %c0_i32 = arith.constant 0 : i32
    %c0_i32_0 = arith.constant 0 : i32
    %c0_i32_1 = arith.constant 0 : i32
    return %arg0, %c0_i32, %c0_i32_0 : i32, i32, i32
  }
  func.func @transform_6(%arg0: i32) -> (i32, i32) {
    %c0_i32 = arith.constant 0 : i32
    %c0_i32_0 = arith.constant 0 : i32
    %c0_i32_1 = arith.constant 0 : i32
    return %c0_i32, %c0_i32_0 : i32, i32
  }
}

module attributes {stable_mosaic.version = 14 : i64} {
  func.func @_stage3_body(%arg0: memref<2x10000x128xf32, #tpu.memory_space<vmem>>, %arg1: memref<32x10000xf32, #tpu.memory_space<vmem>>, %arg2: memref<10000x128xf32, #tpu.memory_space<vmem>>, %arg3: memref<10000x128xf32, #tpu.memory_space<vmem>>) attributes {dimension_semantics = [], scalar_prefetch = 0 : i64, scratch_operands = 0 : i64, tpu.core_type = #tpu.core_type<tc>} {
    %get3A = arith.constant 0 : index
    %get3A_0 = arith.constant 0 : index
    %get3A_1 = arith.constant 0 : index
    %get3A_2 = vector.load %arg0[%get3A, %get3A_0, %get3A_1] : memref<2x10000x128xf32, #tpu.memory_space<vmem>>, vector<1x10000x128xf32>
    %get3A_3 = vector.shape_cast %get3A_2 : vector<1x10000x128xf32> to vector<10000x128xf32>
    %get3A_4 = arith.constant 1 : index
    %get3A_5 = arith.constant 0 : index
    %get3A_6 = arith.constant 0 : index
    %get3A_7 = vector.load %arg0[%get3A_4, %get3A_5, %get3A_6] : memref<2x10000x128xf32, #tpu.memory_space<vmem>>, vector<1x10000x128xf32>
    %get3A_8 = vector.shape_cast %get3A_7 : vector<1x10000x128xf32> to vector<10000x128xf32>
    %add3A = arith.addf %get3A_3, %get3A_8 : vector<10000x128xf32>
    %get3A_9 = arith.constant 0 : index
    %get3A_10 = arith.constant 0 : index
    %get3A_11 = vector.load %arg1[%get3A_9, %get3A_10] : memref<32x10000xf32, #tpu.memory_space<vmem>>, vector<32x10000xf32>
    %broadcast_in_dim3A = arith.constant 1.000000e+00 : f32
    %broadcast_in_dim3A_12 = vector.broadcast %broadcast_in_dim3A : f32 to vector<32x1xf32>
    %dot_general3A = arith.constant dense<0.000000e+00> : vector<10000x1xf32>
    %dot_general3A_13 = tpu.matmul %get3A_11, %broadcast_in_dim3A_12, %dot_general3A {dimension_numbers = #tpu.dot_dimension_numbers<[0], [0], [1], [1], [0, 1, 1, 1], [], []>, transpose_lhs_hint = false} : vector<32x10000xf32>, vector<32x1xf32>, vector<10000x1xf32> -> vector<10000x1xf32>
    %max3A = arith.constant 1.000000e+00 : f32
    %max3A_14 = vector.broadcast %max3A : f32 to vector<10000x1xf32>
    %max3A_15 = arith.maximumf %dot_general3A_13, %max3A_14 : vector<10000x1xf32>
    %div3A = vector.broadcast %max3A_15 : vector<10000x1xf32> to vector<10000x128xf32>
    %div3A_16 = arith.divf %add3A, %div3A : vector<10000x128xf32>
    %get3A_17 = arith.constant 0 : index
    %get3A_18 = arith.constant 0 : index
    %get3A_19 = vector.load %arg2[%get3A_17, %get3A_18] : memref<10000x128xf32, #tpu.memory_space<vmem>>, vector<10000x128xf32>
    %add3A_20 = arith.addf %div3A_16, %get3A_19 : vector<10000x128xf32>
    %swap3A = arith.constant 0 : index
    %swap3A_21 = arith.constant 0 : index
    %swap3A_22 = vector.load %arg3[%swap3A, %swap3A_21] : memref<10000x128xf32, #tpu.memory_space<vmem>>, vector<10000x128xf32>
    tpu.vector_store %arg3[%swap3A, %swap3A_21], %add3A_20 {strides = array<i32>} : memref<10000x128xf32, #tpu.memory_space<vmem>>, vector<10000x128xf32>,
    return
  }
}

</mosaic_0001>

<sc_bundles>
// kernel: kernel.6.cloned.1.call-start
scs
__scs_entry_jumppad:
0x0: {  	(pc) =	sbr.rel $0x88, $3  }
0x1: {  	(tag) =	ssettag $0x0;
	lr =	simm.s32 $0x1  }
0x2: {  	[smem:$0x3F9A] =	sst lr;
	_ =	strace $0xD0000000  }
0x3: {  	_ = 	snop  }
0x4: {  	_ = 	snop  }
0x5: {  	_ = 	snop  }
0x6: {  	_ = 	snop  }
0x7: {  	_ = 	snop  }
__scs_overlays_trampoline_lowered:
0x8: {  	[smem:$0x3FA9] =	sst s0  }
0x9: {  	[smem:$0x3FAA] =	sst s1  }
0xa: {  	[smem:$0x3FAB] =	sst s2  }
0xb: {  	[smem:$0x3FAC] =	sst s3  }
0xc: {  	[smem:$0x3FAD] =	sst s4  }
0xd: {  	[smem:$0x3FAE] =	sst s5  }
0xe: {  	[smem:$0x3FAF] =	sst s6  }
0xf: {  	[smem:$0x3FB0] =	sst s7  }
0x10: {  	[smem:$0x3FB1] =	sst s8  }
0x11: {  	[smem:$0x3FB2] =	sst s9;
	s0 =	simm.s32 @!p0 $0x0  }
0x12: {  	s1 =	sld [smem:$0x3F98];
	s0 =	simm.s32 @p0 $0x1  }
0x13: {  	[smem:$0x3FB3] =	sst s0;
	s0 =	simm.s32 @!p1 $0x0  }
0x14: {  	s2 =	sld [smem:$0x3F97];
	s0 =	simm.s32 @p1 $0x1  }
0x15: {  	[smem:$0x3FB4] =	sst s0;
	s0 =	simm.s32 @!p2 $0x0  }
0x16: {  	s3 =	sld [smem:$0x3FDB];
	s0 =	simm.s32 @p2 $0x1  }
0x17: {  	s4 =	simm.s32 $0x1BF5;
	[smem:$0x3FB6] =	sst s0  }
0x18: {  	s0 =	sld [smem:$0x3F99];
	_ =	swait.ge [sflag:s4], $0x0  }
0x19: {  	s7 =	sld [smem:$0x3F9A]  }
0x1a: {  	s8 =	sadd.s32 $0xFFFFE003, lr  }
0x1b: {  	s9 =	sadd.s32 $0xFFFFFEF7, lr;
	s5 =	simm.s32 $0xFFFFFFFF;
	p2 =	slt.u32 s8, $0xFFFFF086  }
0x1c: {  	p1 =	slt.u32 s9, $0xF7A;
	s5 =	simm.s32 @!p2 $0x0  }
0x1d: {  	s5 =	simm.s32 @p1 $0x1;
	p0 =	seq.s32 s7, s2  }
0x1e: {  	s7 =	smul.u32 @!p0 $0xF7A, s2;
	p2 =	seq.s32 @!p0 s5, $0x0  }
0x1f: {  	s9 =	smul.u32 $0xF7A, s1;
	s8 =	simm.s32 @!p0 $0x1BF5;
	p2 =	por !p2, p0  }
0x20: {  	[sflag:s8] =	ssyncset.s32 @!p0 $0xFFFFF086;
	s6 =	sadd.s32 @!p0 s3, s7;
	s7 =	simm.s32 @!p0 $0x108  }
0x21: {  	s3 =	sadd.s32 s3, s9;
	s6 =	sadd.s32 @!p0 $0x88, s6;
	s7 =	simm.s32 @p2 $0x1082  }
0x22: {  	[simem:s7], [sflag:s8] =	dma.local @!p0 [hbm:s6], $0xF7A  }
0x23: {  	s9 =	sor.u32 $0xD0000000, s2;
	s6 =	simm.s32 $0x108;
	_ =	swait.ge @!p0 [sflag:s8], $0x0  }
0x24: {  	s3 =	sadd.s32 $0x88, s3;
	s6 =	simm.s32 @!p1 $0x1082;
	[sflag:s4] =	ssyncset.s32 $0xFFFFF086  }
0x25: {  	[simem:s6], [sflag:s4] =	dma.local [hbm:s3], $0xF7A  }
0x26: {  	[smem:$0x3F9A] =	sst s1;
	(tag) =	ssettag s2;
	_ =	strace s9  }
0x27: {  	s1 =	sld [smem:$0x3FAA]  }
0x28: {  	s2 =	sld [smem:$0x3FAB]  }
0x29: {  	s4 =	sld [smem:$0x3FAD]  }
0x2a: {  	p0 =	seq.s32 s5, $0x0;
	s5 =	sld [smem:$0x3FAE]  }
0x2b: {  	s6 =	sld [smem:$0x3FAF]  }
0x2c: {  	s7 =	sld [smem:$0x3FB0]  }
0x2d: {  	s3 =	simm.s32 $0x108;
	s8 =	sld [smem:$0x3FB1]  }
0x2e: {  	s3 =	simm.s32 @!p0 $0x1082;
	s9 =	sld [smem:$0x3FB2]  }
0x2f: {  	lr =	sadd.s32 s0, s3;
	s0 =	sld [smem:$0x3FA9]  }
0x30: {  	s3 =	sld [smem:$0x3FAC]  }
0x31: {  	[smem:$0x3FB5] =	sst s10  }
0x32: {  	s10 =	sld [smem:$0x3FB3];
	_ =	sdelay $0x3  }
0x33: {  	p0 =	seq.s32 s10, $0x1;
	s10 =	sld [smem:$0x3FB5];
	_ =	sdelay $0x3  }
0x34: {  	[smem:$0x3FB5] =	sst s10  }
0x35: {  	s10 =	sld [smem:$0x3FB4];
	_ =	sdelay $0x3  }
0x36: {  	p1 =	seq.s32 s10, $0x1;
	s10 =	sld [smem:$0x3FB5];
	_ =	sdelay $0x3  }
0x37: {  	[smem:$0x3FB5] =	sst s10  }
0x38: {  	s10 =	sld [smem:$0x3FB6]  }
0x39: {  	_ = 	snop;
	(pc) =	sbr.ind lr, $3  }
0x3a: {  	_ = 	snop  }
0x3b: {  	_ = 	snop  }
0x3c: {  	p2 =	seq.s32 s10, $0x1;
	s10 =	sld [smem:$0x3FB5]  }
0x3d: {  	_ =	shalt  }
0x3e: {  	_ =	shalt  }
0x3f: {  	_ =	shalt  }
0x40: {  	_ =	shalt  }
0x41: {  	_ =	shalt  }
0x42: {  	_ =	shalt  }
0x43: {  	_ =	shalt  }
0x44: {  	_ =	shalt  }
0x45: {  	_ =	shalt  }
0x46: {  	_ =	shalt  }
0x47: {  	_ =	shalt  }
0x48: {  	_ =	shalt  }
0x49: {  	_ =	shalt  }
0x4a: {  	_ =	shalt  }
0x4b: {  	_ =	shalt  }
0x4c: {  	_ =	shalt  }
0x4d: {  	_ =	shalt  }
0x4e: {  	_ =	shalt  }
0x4f: {  	_ =	shalt  }
0x50: {  	_ =	shalt  }
0x51: {  	_ =	shalt  }
0x52: {  	_ =	shalt  }
0x53: {  	_ =	shalt  }
0x54: {  	_ =	shalt  }
0x55: {  	_ =	shalt  }
0x56: {  	_ =	shalt  }
0x57: {  	_ =	shalt  }
0x58: {  	_ =	shalt  }
0x59: {  	_ =	shalt  }
0x5a: {  	_ =	shalt  }
0x5b: {  	_ =	shalt  }
0x5c: {  	_ =	shalt  }
0x5d: {  	_ =	shalt  }
0x5e: {  	_ =	shalt  }
0x5f: {  	_ =	shalt  }
0x60: {  	_ =	shalt  }
0x61: {  	_ =	shalt  }
0x62: {  	_ =	shalt  }
0x63: {  	_ =	shalt  }
0x64: {  	_ =	shalt  }
0x65: {  	_ =	shalt  }
0x66: {  	_ =	shalt  }
0x67: {  	_ =	shalt  }
0x68: {  	_ =	shalt  }
0x69: {  	_ =	shalt  }
0x6a: {  	_ =	shalt  }
0x6b: {  	_ =	shalt  }
0x6c: {  	_ =	shalt  }
0x6d: {  	_ =	shalt  }
0x6e: {  	_ =	shalt  }
0x6f: {  	_ =	shalt  }
0x70: {  	_ =	shalt  }
0x71: {  	_ =	shalt  }
0x72: {  	_ =	shalt  }
0x73: {  	_ =	shalt  }
0x74: {  	_ =	shalt  }
0x75: {  	_ =	shalt  }
0x76: {  	_ =	shalt  }
0x77: {  	_ =	shalt  }
0x78: {  	_ =	shalt  }
0x79: {  	_ =	shalt  }
0x7a: {  	_ =	shalt  }
0x7b: {  	_ =	shalt  }
0x7c: {  	_ =	shalt  }
0x7d: {  	_ =	shalt  }
0x7e: {  	_ =	shalt  }
0x7f: {  	_ =	shalt  }
0x80: {  	_ =	shalt  }
0x81: {  	_ =	shalt  }
0x82: {  	_ =	shalt  }
0x83: {  	_ =	shalt  }
0x84: {  	_ =	shalt  }
0x85: {  	_ =	shalt  }
0x86: {  	_ =	shalt  }
0x87: {  	_ =	shalt  }
.Lfunc_end0:
.L_simem_size_0:
called_computation_lowered:
.L_overlay_start_0:
0x88: {  	s2 =	sld [smem:$0x3FD9]  }
0x89: {  	s3 =	sld [smem:$0x3FFE];
	_ =	sdelay $0x1  }
0x8a: {  	s1 =	srdreg.scid  }
0x8b: {  	s0 =	sand.u32 $0x1, s1  }
0x8c: {  	s17 =	sshll.u32 s0, $0xA;
	s2 =	sadd.s32 s3, s2  }
0x8d: {  	s2 =	sadd.s32 s2, s17  }
0x8e: {  	[smem:$0x3FC1] =	sst s2  }
0x8f: {  	_ = 	snop  }
0x90: {  	s2 =	sld [smem:$0x3FC8]  }
0x91: {  	s18 =	sld [smem:$0x3FD0];
	(tm) =	ssettm $0x1  }
0x92: {  	s4 =	sld [smem:$0x3FFB];
	_ =	sdelay $0x3  }
0x93: {  	_ =	strace s4  }
0x94: {  	s4 =	sld [smem:$0x3FFC];
	_ =	sdelay $0x3  }
0x95: {  	_ =	strace s4  }
0x96: {  	s4 =	sld [smem:$0x3FFD];
	_ =	sdelay $0x3  }
0x97: {  	_ =	strace s4  }
0x98: {  	_ =	strace $0x8FFFFFFF  }
0x99: {  	s19 =	sld [smem:$0x3FDB];
	_ =	sdelay $0x1  }
0x9a: {  	s5 =	simm.s32 $_scs_section_size  }
0x9b: {  	s6 =	simm.s32 $_size__tile_overlayer_lowered;
	s7 =	simm.s32 $_tile_overlayer_lowered  }
0x9c: {  	s22 =	simm.s32 $0x1BFF;
	s21 =	sshll.u32 s7, $0x1;
	s4 =	sadd.s32 s5, s19  }
0x9d: {  	s8 =	simm.s32 $0x0;
	s20 =	sshll.u32 s6, $0x1;
	s6 =	sadd.s32 s21, s4  }
0x9e: {  	[timem:s8], [sflag:s22] =	dma.local [hbm:s6], s20  }
0x9f: {  	_ =	swait.ge [sflag:s22], s20  }
0xa0: {  	s5 =	ssub.s32 $0x0, s20;
	[sflag:s22] =	ssyncset.done $0x0  }
0xa1: {  	[sflag:s22] =	ssyncadd.s32 s5;
	_ =	sdelay $0x1  }
0xa2: {  	s23 =	simm.s32 $0x1B8B  }
0xa3: {  	_ =	swait.ge [sflag:s23], $0x1  }
0xa4: {  	[sflag:s23] =	ssyncset.done $0x0  }
0xa5: {  	s25 =	simm.s32 $0x1B8E;
	s24 =	sld [smem:$0x3FFE];
	[sflag:s23] =	ssyncadd.s32 $0xFFFFFFFF  }
0xa6: {  	s26 =	simm.s32 $execute0_lowered;
	[smem:$0x3FD2] =	sst s25  }
0xa7: {  	s6 =	sshll.u32 s26, $0x1;
	_ =	strace $0x80000046;
	[dreg:$0x1] =	wrdreg $0xFFFFFFFF  }
0xa8: {  	s28 =	simm.s32 $_size_execute0_lowered;
	s4 =	sadd.s32 s4, s6;
	[dreg:$0x0] =	wrdreg $0x0  }
0xa9: {  	s6 =	sshll.u32 s28, $0x1;
	[dreg:$0x2] =	wrdreg s4  }
0xaa: {  	[dreg:$0x3] =	wrdreg s6  }
0xab: {  	[dreg:$0x4] =	wrdreg $0xC0  }
0xac: {  	_ =	task [dreg:s8], $0x5FFFF  }
0xad: {  	[dreg:$0x1] =	wrdreg $0xFFFFFFFF  }
0xae: {  	[dreg:$0x0] =	wrdreg $0x60  }
0xaf: {  	[dreg:$0x2] =	wrdreg s18  }
0xb0: {  	[dreg:$0x3] =	wrdreg s2  }
0xb1: {  	[dreg:$0x4] =	wrdreg s24  }
0xb2: {  	[dreg:$0x5] =	wrdreg $0x9  }
0xb3: {  	_ =	task.clear_ibuf [dreg:s8], $0x6FFFF;
	_ =	strace $0x90000046  }
0xb4: {  	s29 =	simm.s32 $0x9;
	_ =	strace $0x80000048  }
0xb5: {  	_ =	swait.ge [sflag:s29], $0x1  }
0xb6: {  	[sflag:s29] =	ssyncadd.s32 $0xFFFFFFFF  }
0xb7: {  	_ =	strace $0x90000048  }
0xb8: {  	_ =	sfence  }
0xb9: {  	s30 =	sld [smem:$0x0];
	_ =	sdelay $0x2  }
0xba: {  	s31 =	sshll.u32 s1, $0xD;
	s1 =	sshrl.u32 s1, $0x2  }
0xbb: {  	s3 =	sand.u32 $0x4000, s31;
	s1 =	sadd.s32 s1, s30  }
0xbc: {  	s0 =	sor.u32 s3, s0;
	s1 =	sshll.u32 s1, $0x11  }
0xbd: {  	s0 =	sor.u32 s1, s0  }
0xbe: {  	s0 =	sadd.s32 $0x8F2B, s0  }
0xbf: {  	[sflag:s0] =	ssyncadd.remote.s32 $0x1  }
0xc0: {  	_ =	sfence.sel $0xFFFF  }
0xc1: {  	[dreg:$0x0] =	wrdreg $0xFFFFFFFF;
	(pc) =	sbr.abs _section_cstart, $3  }
0xc2: {  	[dreg:$0x1] =	wrdreg $0xFFFFFFFF  }
0xc3: {  	_ =	task.clear_ibuf [dreg:s8], $0x2FFFF;
	_ =	strace $0x9FFFFFFF  }
0xc4: {  	(tm) =	ssettm $0x7FFFFFFF  }
0xc5: {  	_ =	shalt  }
tec
execute0_lowered:
.L_overlay_start_1:
0x0: {  	(tag) =	ssettag $0x1  }
0x1: {  	s3 =	rddreg [dreg:$0x0]  }
0x2: {  	s1 =	srdreg.scid;
	s4 =	rddreg [dreg:$0x1]  }
0x3: {  	s0 =	stileid.u32;
	s6 =	rddreg [dreg:$0x2]  }
0x4: {  	s2 =	simm.s32 $0x0;
	s11 =	simm.s32 $0x4E20;
	s12 =	simm.s32 $0x1  }
0x5: {  	s13 =	simm.s32 $0xC350;
	s5 =	sand.u32 $0x1, s1;
	s30 =	sshll.u32 s0, $0x1  }
0x6: {  	s14 =	simm.s32 $0x7530;
	s15 =	simm.s32 $0x9C40;
	s7 =	sor.u32 s5, s30  }
0x7: {  	s16 =	simm.s32 $0x2;
	s17 =	simm.s32 $0x0;
	s8 =	smul.u32 $0x4E2, s7  }
0x8: {  	[smem:$0x7FF] =	sst s2;
	s5 =	ssub.s32 $0x2, s5;
	s7 =	smul.u32 $0x2710, s7  }
0x9: {  	s1 =	rddreg [dreg:$0x3];
	_ =	strace $0x80000047;
	s31 =	sshrl.u32 s5, $0x1  }
0xa: {  	s10 =	ssub.s32 s5, s31;
	s8 =	sadd.s32 s8, s6;
	s7 =	sshrl.u32 s7, $0x3  }
0xb: {  	s9 =	sadd.s32 s7, s6;
	s3 =	sadd.s32 s3, s7;
	s4 =	sadd.s32 s4, s7  }
0xc: {  	s6 =	sadd.s32 $0xC000, s8;
	s7 =	sadd.s32 $0x15E00, s8;
	s5 =	sadd.s32 $0x9C40, s3  }
0xd: {  	v0 =	vimm.f32 $0.0e+00;
	v1 =	vimm.f32 $1.000000000e+00;
	s8 =	sadd.s32 $0x2200, s9;
	s9 =	smax.u32 s10, $0x1;
	s10 =	simm.s32 $0x2710  }
.LBB2_1:
0xe: {  	[tilespmem:s2], [sflag:$0x1] =	stream.linear.gather [hbm4b:s3+s2], $0x2710, $0x38;
	[tilespmem:$0xEA60] =	vst v63  }
0xf: {  	_ = 	snop  }
0x10: {  	[tilespmem:s10], [sflag:$0x1] =	stream.linear.gather [hbm4b:s4+s2], $0x2710, $0x38;
	[tilespmem:$0xEA60] =	vst v63  }
0x11: {  	s18 =	simm.s32 $0x40;
	s19 =	simm.s32 $0x0  }
0x12: {  	[tilespmem:s11], [sflag:$0x1] =	stream.linear.gather [hbm4b:s5+s2], $0x2710, $0x38;
	[tilespmem:$0xEA60] =	vst v63  }
.LBB2_2:
0x13: {  	p0 =	sne.s32 s18, $0x9C00;
	[tilespmem:s19+$0xC350] =	vst v0;
	s19 =	smov.u32 s18;
	s18 =	sadd.s32 $0x40, s18  }
.Ltmp0:
0x14: {  	(pc) =	sbr.rel @p0 .LBB2_2-.Ltmp0, $2  }
0x15: {  	_ =	sdelay $0x2  }
0x16: {  	s19 =	sshra.s32 s19, $0x2  }
0x17: {  	[tilespmem:s19+$0xC350] =	vst v0  }
0x18: {  	_ =	swait.ge [sflag:s12], $0x2710  }
0x19: {  	[sflag:s12] =	ssyncset.done $0x0  }
0x1a: {  	[sflag:s12] =	ssyncadd.s32 $0xFFFFD8F0  }
0x1b: {  	_ =	swait.ge [sflag:s12], $0x2710  }
0x1c: {  	[sflag:s12] =	ssyncset.done $0x0  }
0x1d: {  	[sflag:s12] =	ssyncadd.s32 $0xFFFFD8F0  }
0x1e: {  	s18 =	simm.s32 $0x0;
	_ =	swait.ge [sflag:s12], $0x2710  }
0x1f: {  	s30 =	smul.u32 $0xCCCD, s18;
	[sflag:s12] =	ssyncset.done $0x0  }
0x20: {  	s20 =	simm.s32 $0x2710;
	[sflag:s12] =	ssyncadd.s32 $0xFFFFD8F0  }
0x21: {  	s21 =	simm.s32 $0x4E20;
	s19 =	sshrl.u32 s30, $0x12;
	v3 =	vld [tilespmem:s20+$0x0]  }
0x22: {  	s31 =	smul.u32 $0x5, s19;
	v2 =	vld [tilespmem:s21+$0x0]  }
0x23: {  	v4 =	vld [tilespmem:s18+$0x0]  }
0x24: {  	s19 =	smul.u32 $0x50, s19;
	s20 =	ssub.s32 $0x0, s31  }
0x25: {  	s20 =	sshll.u32 s20, $0x4  }
0x26: {  	s20 =	sadd.s32 s20, s19;
	v3 =	vmul.u32 $0x2710, v3  }
0x27: {  	s23 =	simm.s32 $0x2;
	s22 =	sand.u32 $0xFFF0, s20  }
0x28: {  	s21 =	simm.s32 $0x2720;
	s19 =	simm.s32 $0x1;
	s20 =	simm.s32 $0x4E30;
	[tilespmem:s22+$0x9C40] =	vst v2;
	v3 =	vadd.s32 v4, v3  }
.LBB2_4:
0x29: {  	s24 =	smul.u32 $0xCCCD, s19  }
0x2a: {  	[tilespmem:s22+$0x7530] =	vst v3;
	s18 =	sadd.s32 $0x10, s18;
	s22 =	smov.u32 s23;
	s25 =	sadd.s32 $0x1, s23  }
0x2b: {  	p0 =	sne.s32 s23, $0x270;
	[tilespmem:v2+s13+$0x0] =	vst.idx.add.f32.msk $0xffff, v1  }
0x2c: {  	s23 =	sshrl.u32 s24, $0x12;
	v3 =	vld [tilespmem:s21+$0x0]  }
0x2d: {  	s24 =	smul.u32 $0x5, s23;
	v2 =	vld [tilespmem:s20+$0x0]  }
0x2e: {  	s23 =	smul.u32 $0x50, s23;
	v4 =	vld [tilespmem:s18+$0x0]  }
.Ltmp1:
0x2f: {  	s24 =	ssub.s32 s19, s24;
	s19 =	smov.u32 s22;
	(pc) =	sbr.rel @p0 .LBB2_4-.Ltmp1, $4  }
0x30: {  	s22 =	sshll.u32 s24, $0x4  }
0x31: {  	v3 =	vmul.u32 $0x2710, v3;
	s22 =	sadd.s32 s22, s23  }
0x32: {  	s22 =	sand.u32 $0xFFF0, s22  }
0x33: {  	s21 =	sadd.s32 $0x10, s21;
	s20 =	sadd.s32 $0x10, s20;
	s23 =	smov.u32 s25;
	v3 =	vadd.s32 v4, v3;
	[tilespmem:s22+$0x9C40] =	vst v2  }
0x34: {  	_ =	sdelay $0x2  }
0x35: {  	s23 =	smul.u32 $0xCCCD, s19;
	[tilespmem:s22+$0x7530] =	vst v3  }
0x36: {  	[tilespmem:v2+s13+$0x0] =	vst.idx.add.f32.msk $0xffff, v1  }
0x37: {  	s28 =	sshrl.u32 s23, $0x12;
	v2 =	vld [tilespmem:s21+$0x0]  }
0x38: {  	s18 =	sadd.s32 $0x10, s18;
	v3 =	vld [tilespmem:s20+$0x0];
	s29 =	smul.u32 $0x5, s28  }
0x39: {  	v4 =	vld [tilespmem:s18+$0x0]  }
0x3a: {  	s30 =	smul.u32 $0x50, s28;
	s31 =	ssub.s32 s19, s29  }
0x3b: {  	s19 =	sshll.u32 s31, $0x4  }
0x3c: {  	v2 =	vmul.u32 $0x2710, v2;
	s18 =	sadd.s32 s19, s30  }
0x3d: {  	s18 =	sand.u32 $0xFFF0, s18  }
0x3e: {  	v2 =	vadd.s32 v4, v2;
	[tilespmem:s18+$0x9C40] =	vst v3  }
0x3f: {  	[tilespmem:s18+$0x7530] =	vst v2  }
0x40: {  	[tilespmem:v3+s13+$0x0] =	vst.idx.add.f32.msk $0xffff, v1  }
0x41: {  	[hbm4b:s6+s2] =	stream.linear.scatter [tilespmem:s14], [sflag:$0x1], $0x2710, $0x38;
	[tilespmem:$0xEA60] =	vst v63  }
0x42: {  	_ = 	snop  }
0x43: {  	[hbm4b:s7+s2] =	stream.linear.scatter [tilespmem:s15], [sflag:$0x1], $0x2710, $0x38;
	[tilespmem:$0xEA60] =	vst v63  }
0x44: {  	_ = 	snop  }
0x45: {  	[hbm4b:s8+s2] =	stream.linear.scatter [tilespmem:s13], [sflag:$0x2], $0x2710, $0x38;
	[tilespmem:$0xEA60] =	vst v63  }
0x46: {  	_ =	swait.ge [sflag:s16], $0x2710  }
0x47: {  	[sflag:s16] =	ssyncset.done $0x0  }
0x48: {  	s17 =	sadd.s32 $0x1, s17;
	[sflag:s16] =	ssyncadd.s32 $0xFFFFD8F0  }
0x49: {  	p0 =	sne.s32 s17, s9;
	_ =	swait.ge [sflag:s12], $0x2710  }
.Ltmp2:
0x4a: {  	[sflag:s12] =	ssyncset.done $0x0;
	(pc) =	sbr.rel @p0 .LBB2_1-.Ltmp2, $4  }
0x4b: {  	[sflag:s12] =	ssyncadd.s32 $0xFFFFD8F0  }
0x4c: {  	_ =	swait.ge [sflag:s12], $0x2710  }
0x4d: {  	[sflag:s12] =	ssyncset.done $0x0  }
0x4e: {  	[sflag:s12] =	ssyncadd.s32 $0xFFFFD8F0  }
0x4f: {  	_ =	sfence.sel $0x180000  }
0x50: {  	[bflag:$0x0] =	sbarrier.arrive $0xFFFF  }
0x51: {  	p0 =	sne.s32 s0, $0x0;
	_ =	strace $0x90000047  }
0x52: {  	s0 =	sadd.s32 @!p0 $0x100000, s1;
	[bflag:$0x2] =	sbarrier.arrive $0xFFFF  }
0x53: {  	[sflag:s0] =	ssyncadd.tile.s32 @!p0 $0x1;
	_ =	shalt  }
.Lfunc_end2:
_tile_overlayer_lowered:
.L_overlay_start_2:
0x54: {  	(tag) =	ssettag $0x2  }
0x55: {  	s0 =	rddreg [dreg:$0x0];
	s2 =	stileid.u32  }
0x56: {  	s1 =	rddreg [dreg:$0x1];
	p0 =	sne.s32 s2, $0x0  }
0x57: {  	s3 =	rddreg [dreg:$0x2];
	[bflag:$0x3] =	sbarrier.arrive $0xFFFF;
	s2 =	simm.s32 @!p0 $0x1C02  }
0x58: {  	[timem:s3], [sflag:s2] =	dma.local @!p0 [hbm:s0], s1  }
0x59: {  	s0 =	simm.s32 @!p0 $0x2  }
0x5a: {  	_ =	swait.ge @!p0 [sflag:s0], s1  }
0x5b: {  	s1 =	ssub.s32 @!p0 $0x0, s1;
	[sflag:s0] =	ssyncset.done @!p0 $0x0  }
0x5c: {  	[sflag:s0] =	ssyncadd.s32 @!p0 s1  }
0x5d: {  	[bflag:$0x3] =	sbarrier.arrive $0xFFFF  }
0x5e: {  	_ =	shalt  }

// kernel: kernel.9.cloned.1.call-start
scs
__scs_entry_jumppad:
0x0: {  	(pc) =	sbr.rel $0x88, $3  }
0x1: {  	(tag) =	ssettag $0x0;
	lr =	simm.s32 $0x1  }
0x2: {  	[smem:$0x3F9A] =	sst lr;
	_ =	strace $0xD0000000  }
0x3: {  	_ = 	snop  }
0x4: {  	_ = 	snop  }
0x5: {  	_ = 	snop  }
0x6: {  	_ = 	snop  }
0x7: {  	_ = 	snop  }
__scs_overlays_trampoline_lowered:
0x8: {  	[smem:$0x3FA9] =	sst s0  }
0x9: {  	[smem:$0x3FAA] =	sst s1  }
0xa: {  	[smem:$0x3FAB] =	sst s2  }
0xb: {  	[smem:$0x3FAC] =	sst s3  }
0xc: {  	[smem:$0x3FAD] =	sst s4  }
0xd: {  	[smem:$0x3FAE] =	sst s5  }
0xe: {  	[smem:$0x3FAF] =	sst s6  }
0xf: {  	[smem:$0x3FB0] =	sst s7  }
0x10: {  	[smem:$0x3FB1] =	sst s8  }
0x11: {  	[smem:$0x3FB2] =	sst s9;
	s0 =	simm.s32 @!p0 $0x0  }
0x12: {  	s1 =	sld [smem:$0x3F98];
	s0 =	simm.s32 @p0 $0x1  }
0x13: {  	[smem:$0x3FB3] =	sst s0;
	s0 =	simm.s32 @!p1 $0x0  }
0x14: {  	s2 =	sld [smem:$0x3F97];
	s0 =	simm.s32 @p1 $0x1  }
0x15: {  	[smem:$0x3FB4] =	sst s0;
	s0 =	simm.s32 @!p2 $0x0  }
0x16: {  	s3 =	sld [smem:$0x3FDB];
	s0 =	simm.s32 @p2 $0x1  }
0x17: {  	s4 =	simm.s32 $0x1BF5;
	[smem:$0x3FB6] =	sst s0  }
0x18: {  	s0 =	sld [smem:$0x3F99];
	_ =	swait.ge [sflag:s4], $0x0  }
0x19: {  	s7 =	sld [smem:$0x3F9A]  }
0x1a: {  	s8 =	sadd.s32 $0xFFFFE003, lr  }
0x1b: {  	s9 =	sadd.s32 $0xFFFFFEF7, lr;
	s5 =	simm.s32 $0xFFFFFFFF;
	p2 =	slt.u32 s8, $0xFFFFF086  }
0x1c: {  	p1 =	slt.u32 s9, $0xF7A;
	s5 =	simm.s32 @!p2 $0x0  }
0x1d: {  	s5 =	simm.s32 @p1 $0x1;
	p0 =	seq.s32 s7, s2  }
0x1e: {  	s7 =	smul.u32 @!p0 $0xF7A, s2;
	p2 =	seq.s32 @!p0 s5, $0x0  }
0x1f: {  	s9 =	smul.u32 $0xF7A, s1;
	s8 =	simm.s32 @!p0 $0x1BF5;
	p2 =	por !p2, p0  }
0x20: {  	[sflag:s8] =	ssyncset.s32 @!p0 $0xFFFFF086;
	s6 =	sadd.s32 @!p0 s3, s7;
	s7 =	simm.s32 @!p0 $0x108  }
0x21: {  	s3 =	sadd.s32 s3, s9;
	s6 =	sadd.s32 @!p0 $0x88, s6;
	s7 =	simm.s32 @p2 $0x1082  }
0x22: {  	[simem:s7], [sflag:s8] =	dma.local @!p0 [hbm:s6], $0xF7A  }
0x23: {  	s9 =	sor.u32 $0xD0000000, s2;
	s6 =	simm.s32 $0x108;
	_ =	swait.ge @!p0 [sflag:s8], $0x0  }
0x24: {  	s3 =	sadd.s32 $0x88, s3;
	s6 =	simm.s32 @!p1 $0x1082;
	[sflag:s4] =	ssyncset.s32 $0xFFFFF086  }
0x25: {  	[simem:s6], [sflag:s4] =	dma.local [hbm:s3], $0xF7A  }
0x26: {  	[smem:$0x3F9A] =	sst s1;
	(tag) =	ssettag s2;
	_ =	strace s9  }
0x27: {  	s1 =	sld [smem:$0x3FAA]  }
0x28: {  	s2 =	sld [smem:$0x3FAB]  }
0x29: {  	s4 =	sld [smem:$0x3FAD]  }
0x2a: {  	p0 =	seq.s32 s5, $0x0;
	s5 =	sld [smem:$0x3FAE]  }
0x2b: {  	s6 =	sld [smem:$0x3FAF]  }
0x2c: {  	s7 =	sld [smem:$0x3FB0]  }
0x2d: {  	s3 =	simm.s32 $0x108;
	s8 =	sld [smem:$0x3FB1]  }
0x2e: {  	s3 =	simm.s32 @!p0 $0x1082;
	s9 =	sld [smem:$0x3FB2]  }
0x2f: {  	lr =	sadd.s32 s0, s3;
	s0 =	sld [smem:$0x3FA9]  }
0x30: {  	s3 =	sld [smem:$0x3FAC]  }
0x31: {  	[smem:$0x3FB5] =	sst s10  }
0x32: {  	s10 =	sld [smem:$0x3FB3];
	_ =	sdelay $0x3  }
0x33: {  	p0 =	seq.s32 s10, $0x1;
	s10 =	sld [smem:$0x3FB5];
	_ =	sdelay $0x3  }
0x34: {  	[smem:$0x3FB5] =	sst s10  }
0x35: {  	s10 =	sld [smem:$0x3FB4];
	_ =	sdelay $0x3  }
0x36: {  	p1 =	seq.s32 s10, $0x1;
	s10 =	sld [smem:$0x3FB5];
	_ =	sdelay $0x3  }
0x37: {  	[smem:$0x3FB5] =	sst s10  }
0x38: {  	s10 =	sld [smem:$0x3FB6]  }
0x39: {  	_ = 	snop;
	(pc) =	sbr.ind lr, $3  }
0x3a: {  	_ = 	snop  }
0x3b: {  	_ = 	snop  }
0x3c: {  	p2 =	seq.s32 s10, $0x1;
	s10 =	sld [smem:$0x3FB5]  }
0x3d: {  	_ =	shalt  }
0x3e: {  	_ =	shalt  }
0x3f: {  	_ =	shalt  }
0x40: {  	_ =	shalt  }
0x41: {  	_ =	shalt  }
0x42: {  	_ =	shalt  }
0x43: {  	_ =	shalt  }
0x44: {  	_ =	shalt  }
0x45: {  	_ =	shalt  }
0x46: {  	_ =	shalt  }
0x47: {  	_ =	shalt  }
0x48: {  	_ =	shalt  }
0x49: {  	_ =	shalt  }
0x4a: {  	_ =	shalt  }
0x4b: {  	_ =	shalt  }
0x4c: {  	_ =	shalt  }
0x4d: {  	_ =	shalt  }
0x4e: {  	_ =	shalt  }
0x4f: {  	_ =	shalt  }
0x50: {  	_ =	shalt  }
0x51: {  	_ =	shalt  }
0x52: {  	_ =	shalt  }
0x53: {  	_ =	shalt  }
0x54: {  	_ =	shalt  }
0x55: {  	_ =	shalt  }
0x56: {  	_ =	shalt  }
0x57: {  	_ =	shalt  }
0x58: {  	_ =	shalt  }
0x59: {  	_ =	shalt  }
0x5a: {  	_ =	shalt  }
0x5b: {  	_ =	shalt  }
0x5c: {  	_ =	shalt  }
0x5d: {  	_ =	shalt  }
0x5e: {  	_ =	shalt  }
0x5f: {  	_ =	shalt  }
0x60: {  	_ =	shalt  }
0x61: {  	_ =	shalt  }
0x62: {  	_ =	shalt  }
0x63: {  	_ =	shalt  }
0x64: {  	_ =	shalt  }
0x65: {  	_ =	shalt  }
0x66: {  	_ =	shalt  }
0x67: {  	_ =	shalt  }
0x68: {  	_ =	shalt  }
0x69: {  	_ =	shalt  }
0x6a: {  	_ =	shalt  }
0x6b: {  	_ =	shalt  }
0x6c: {  	_ =	shalt  }
0x6d: {  	_ =	shalt  }
0x6e: {  	_ =	shalt  }
0x6f: {  	_ =	shalt  }
0x70: {  	_ =	shalt  }
0x71: {  	_ =	shalt  }
0x72: {  	_ =	shalt  }
0x73: {  	_ =	shalt  }
0x74: {  	_ =	shalt  }
0x75: {  	_ =	shalt  }
0x76: {  	_ =	shalt  }
0x77: {  	_ =	shalt  }
0x78: {  	_ =	shalt  }
0x79: {  	_ =	shalt  }
0x7a: {  	_ =	shalt  }
0x7b: {  	_ =	shalt  }
0x7c: {  	_ =	shalt  }
0x7d: {  	_ =	shalt  }
0x7e: {  	_ =	shalt  }
0x7f: {  	_ =	shalt  }
0x80: {  	_ =	shalt  }
0x81: {  	_ =	shalt  }
0x82: {  	_ =	shalt  }
0x83: {  	_ =	shalt  }
0x84: {  	_ =	shalt  }
0x85: {  	_ =	shalt  }
0x86: {  	_ =	shalt  }
0x87: {  	_ =	shalt  }
.Lfunc_end0:
.L_simem_size_0:
called_computation.1_lowered:
.L_overlay_start_0:
0x88: {  	s2 =	sld [smem:$0x3FD9]  }
0x89: {  	s3 =	sld [smem:$0x3FFE];
	_ =	sdelay $0x1  }
0x8a: {  	s1 =	srdreg.scid  }
0x8b: {  	s0 =	sand.u32 $0x1, s1  }
0x8c: {  	s16 =	sshll.u32 s0, $0xA;
	s2 =	sadd.s32 s3, s2  }
0x8d: {  	s2 =	sadd.s32 s2, s16  }
0x8e: {  	[smem:$0x3FC1] =	sst s2  }
0x8f: {  	_ = 	snop  }
0x90: {  	(tm) =	ssettm $0x1  }
0x91: {  	s17 =	sld [smem:$0x3FFB];
	_ =	sdelay $0x3  }
0x92: {  	_ =	strace s17  }
0x93: {  	s2 =	sld [smem:$0x3FFC];
	_ =	sdelay $0x3  }
0x94: {  	_ =	strace s2  }
0x95: {  	s2 =	sld [smem:$0x3FFD];
	_ =	sdelay $0x3  }
0x96: {  	_ =	strace s2  }
0x97: {  	_ =	strace $0x8FFFFFFF  }
0x98: {  	s18 =	sld [smem:$0x3FDB];
	_ =	sdelay $0x1  }
0x99: {  	s19 =	simm.s32 $_scs_section_size  }
0x9a: {  	s4 =	simm.s32 $_size__tile_overlayer_lowered;
	s5 =	simm.s32 $_tile_overlayer_lowered  }
0x9b: {  	s22 =	simm.s32 $0x1BFF;
	s21 =	sshll.u32 s5, $0x1;
	s2 =	sadd.s32 s19, s18  }
0x9c: {  	s6 =	simm.s32 $0x0;
	s20 =	sshll.u32 s4, $0x1;
	s4 =	sadd.s32 s21, s2  }
0x9d: {  	[timem:s6], [sflag:s22] =	dma.local [hbm:s4], s20  }
0x9e: {  	_ =	swait.ge [sflag:s22], s20  }
0x9f: {  	s3 =	ssub.s32 $0x0, s20;
	[sflag:s22] =	ssyncset.done $0x0  }
0xa0: {  	[sflag:s22] =	ssyncadd.s32 s3;
	_ =	sdelay $0x1  }
0xa1: {  	s23 =	simm.s32 $0x1B8B  }
0xa2: {  	_ =	swait.ge [sflag:s23], $0x1  }
0xa3: {  	[sflag:s23] =	ssyncset.done $0x0  }
0xa4: {  	s25 =	simm.s32 $0x1B8E;
	s24 =	sld [smem:$0x3FFE];
	[sflag:s23] =	ssyncadd.s32 $0xFFFFFFFF  }
0xa5: {  	s26 =	simm.s32 $execute0_lowered;
	[smem:$0x3FD2] =	sst s25  }
0xa6: {  	s4 =	sshll.u32 s26, $0x1;
	_ =	strace $0x80000049;
	[dreg:$0x1] =	wrdreg $0xFFFFFFFF  }
0xa7: {  	s28 =	simm.s32 $_size_execute0_lowered;
	s2 =	sadd.s32 s2, s4;
	[dreg:$0x0] =	wrdreg $0x0  }
0xa8: {  	s4 =	sshll.u32 s28, $0x1;
	[dreg:$0x2] =	wrdreg s2  }
0xa9: {  	[dreg:$0x3] =	wrdreg s4  }
0xaa: {  	[dreg:$0x4] =	wrdreg $0xC0  }
0xab: {  	_ =	task [dreg:s6], $0x5FFFF  }
0xac: {  	[dreg:$0x1] =	wrdreg $0xFFFFFFFF  }
0xad: {  	[dreg:$0x0] =	wrdreg $0x60  }
0xae: {  	[dreg:$0x2] =	wrdreg s24  }
0xaf: {  	[dreg:$0x3] =	wrdreg $0xC6200  }
0xb0: {  	[dreg:$0x4] =	wrdreg $0x9  }
0xb1: {  	_ =	task.clear_ibuf [dreg:s6], $0x5FFFF;
	_ =	strace $0x90000049  }
0xb2: {  	s29 =	simm.s32 $0x9;
	_ =	strace $0x8000004B  }
0xb3: {  	_ =	swait.ge [sflag:s29], $0x1  }
0xb4: {  	[sflag:s29] =	ssyncadd.s32 $0xFFFFFFFF  }
0xb5: {  	_ =	strace $0x9000004B  }
0xb6: {  	_ =	sfence  }
0xb7: {  	s30 =	sld [smem:$0x0];
	_ =	sdelay $0x2  }
0xb8: {  	s31 =	sshll.u32 s1, $0xD;
	s1 =	sshrl.u32 s1, $0x2  }
0xb9: {  	s3 =	sand.u32 $0x4000, s31;
	s1 =	sadd.s32 s1, s30  }
0xba: {  	s0 =	sor.u32 s3, s0;
	s1 =	sshll.u32 s1, $0x11  }
0xbb: {  	s0 =	sor.u32 s1, s0  }
0xbc: {  	s0 =	sadd.s32 $0x8F2B, s0  }
0xbd: {  	[sflag:s0] =	ssyncadd.remote.s32 $0x1  }
0xbe: {  	_ =	sfence.sel $0xFFFF  }
0xbf: {  	[dreg:$0x0] =	wrdreg $0xFFFFFFFF;
	(pc) =	sbr.abs _section_cstart, $3  }
0xc0: {  	[dreg:$0x1] =	wrdreg $0xFFFFFFFF  }
0xc1: {  	_ =	task.clear_ibuf [dreg:s6], $0x2FFFF;
	_ =	strace $0x9FFFFFFF  }
0xc2: {  	(tm) =	ssettm $0x7FFFFFFF  }
0xc3: {  	_ =	shalt  }
tec
execute0_lowered:
.L_overlay_start_1:
0x0: {  	(tag) =	ssettag $0x1  }
0x1: {  	s5 =	rddreg [dreg:$0x0]  }
0x2: {  	s0 =	srdreg.scid;
	s21 =	stileid.u32;
	s1 =	simm.s32 $0x0  }
0x3: {  	s0 =	sand.u32 $0x1, s0;
	s2 =	sshll.u32 s21, $0x1;
	[smem:$0x7FF] =	sst s1  }
0x4: {  	s7 =	sadd.s32 $0x158400, s5;
	s14 =	sor.u32 $0x40, s21;
	s9 =	smul.u32 $0x138800, s0  }
0x5: {  	s2 =	sor.u32 s0, s2;
	s3 =	ssub.s32 $0x2, s0;
	s0 =	smul.u32 $0x2800, s21  }
0x6: {  	s10 =	sor.u32 $0x10, s21;
	s11 =	sor.u32 $0x20, s21;
	s20 =	smul.u32 $0x2800, s14  }
0x7: {  	s13 =	sor.u32 $0x30, s21;
	s15 =	sor.u32 $0x50, s21;
	s6 =	smul.u32 $0x4E2, s2  }
0x8: {  	s16 =	sor.u32 $0x60, s21;
	s24 =	sshrl.u32 s3, $0x1;
	s2 =	smul.u32 $0x2800, s10  }
0x9: {  	s18 =	sor.u32 $0x70, s21;
	s8 =	ssub.s32 s3, s24;
	s3 =	smul.u32 $0x2800, s11  }
0xa: {  	p1 =	sgt.u32 s21, $0xC;
	s4 =	sadd.s32 s9, s0;
	s24 =	smul.u32 $0x2800, s15  }
0xb: {  	p0 =	sgt.u32 s18, $0x7C;
	s11 =	smul.u32 $0xA000, s11;
	s12 =	sshrl.u32 s4, $0x3  }
0xc: {  	s17 =	sadd.s32 s9, s2;
	s4 =	smul.u32 $0x2800, s13;
	s6 =	sadd.s32 s6, s5  }
0xd: {  	s8 =	smax.u32 s8, $0x1;
	s13 =	smul.u32 $0xA000, s13;
	s12 =	sadd.s32 s7, s12  }
0xe: {  	s25 =	sshrl.u32 s17, $0x3;
	s26 =	sadd.s32 s9, s3;
	[dreg:$0x3] =	wrdreg s12  }
0xf: {  	s19 =	sadd.s32 s9, s4;
	s17 =	sshrl.u32 s26, $0x3;
	s12 =	sadd.s32 s7, s25  }
0x10: {  	s25 =	sadd.s32 s9, s20;
	s26 =	sadd.s32 s9, s24;
	s19 =	sshrl.u32 s19, $0x3  }
0x11: {  	[dreg:$0x4] =	wrdreg s12;
	s22 =	sadd.s32 s7, s17;
	s12 =	sshrl.u32 s25, $0x3  }
0x12: {  	s17 =	sshrl.u32 s26, $0x3;
	[dreg:$0x5] =	wrdreg s22;
	s23 =	sadd.s32 s7, s19  }
0x13: {  	s25 =	smul.u32 $0x2800, s18;
	s12 =	sadd.s32 s7, s12;
	[dreg:$0x6] =	wrdreg s23  }
0x14: {  	s19 =	smul.u32 $0x2800, s16;
	s22 =	sadd.s32 s7, s17;
	[dreg:$0x7] =	wrdreg s12  }
0x15: {  	[dreg:$0x8] =	wrdreg s22;
	s26 =	sadd.s32 s9, s25;
	s22 =	smul.u32 $0xA000, s10  }
0x16: {  	s10 =	smul.u32 $0xA000, s16;
	s23 =	sadd.s32 s9, s19;
	s9 =	rddreg [dreg:$0x1]  }
0x17: {  	s17 =	sshrl.u32 s26, $0x3;
	s26 =	sadd.s32 $0xC000, s6;
	s6 =	sadd.s32 $0x15E00, s6  }
0x18: {  	s12 =	sshrl.u32 s23, $0x3;
	s23 =	smul.u32 $0xA000, s21;
	s0 =	sadd.s32 s0, s9  }
0x19: {  	s2 =	sadd.s32 s2, s9;
	s3 =	sadd.s32 s3, s9;
	s4 =	sadd.s32 s4, s9  }
0x1a: {  	s12 =	sadd.s32 s7, s12;
	s7 =	sadd.s32 s7, s17;
	s17 =	sshrl.u32 s22, $0x2  }
0x1b: {  	s22 =	smul.u32 $0xA000, s14;
	s28 =	sshrl.u32 s4, $0x3;
	[dreg:$0x9] =	wrdreg s12  }
0x1c: {  	s4 =	simm.s32 $0x50;
	[dreg:$0xa] =	wrdreg s7;
	s12 =	sadd.s32 $0x1FC00, s5  }
0x1d: {  	s5 =	sshrl.u32 s23, $0x2;
	s23 =	sshrl.u32 s11, $0x2;
	s11 =	smul.u32 $0xA000, s18  }
0x1e: {  	s18 =	sadd.s32 s24, s9;
	_ =	strace $0x8000004A;
	[dreg:$0xb] =	wrdreg s26  }
0x1f: {  	s24 =	sshrl.u32 s0, $0x3;
	s0 =	simm.s32 $0x4E20;
	[dreg:$0xc] =	wrdreg s6  }
0x20: {  	[dreg:$0xd] =	wrdreg s8;
	s5 =	sadd.s32 s5, s9;
	s26 =	smul.u32 $0xA000, s15  }
0x21: {  	s8 =	sshrl.u32 s13, $0x2;
	s7 =	sshrl.u32 s22, $0x2;
	s15 =	sshrl.u32 s10, $0x2  }
0x22: {  	s30 =	sshrl.u32 s18, $0x3;
	s6 =	simm.s32 $0x9E20;
	s10 =	simm.s32 $0x6  }
0x23: {  	[dreg:$0xe] =	wrdreg s5;
	s5 =	sadd.s32 s17, s9;
	s13 =	sadd.s32 s7, s9  }
0x24: {  	s16 =	sshrl.u32 s11, $0x2;
	s22 =	sadd.s32 s15, s9;
	s17 =	sadd.s32 s20, s9  }
0x25: {  	s20 =	sadd.s32 s19, s9;
	s7 =	simm.s32 $0x3;
	s11 =	simm.s32 $0x4  }
0x26: {  	s15 =	simm.s32 $0x8;
	[dreg:$0xf] =	wrdreg s5;
	s5 =	sadd.s32 s23, s9  }
0x27: {  	[dreg:$0x12] =	wrdreg s13;
	s14 =	sshrl.u32 s26, $0x2;
	s23 =	sadd.s32 s16, s9  }
0x28: {  	s26 =	sshrl.u32 s3, $0x3;
	s29 =	sshrl.u32 s17, $0x3;
	s31 =	sshrl.u32 s20, $0x3  }
0x29: {  	s3 =	simm.s32 $0x1;
	s13 =	simm.s32 $0x7;
	s16 =	simm.s32 $0x9  }
0x2a: {  	s17 =	simm.s32 $0x0;
	[dreg:$0x10] =	wrdreg s5;
	s5 =	sadd.s32 s8, s9  }
0x2b: {  	s8 =	sadd.s32 s25, s9;
	s25 =	sshrl.u32 s2, $0x3;
	s2 =	simm.s32 $0x2  }
0x2c: {  	[dreg:$0x11] =	wrdreg s5;
	s5 =	sadd.s32 s14, s9;
	s8 =	sshrl.u32 @!p0 s8, $0x3  }
0x2d: {  	v0 =	vimm.f32 $0.0e+00;
	s14 =	simm.s32 $0x5;
	[dreg:$0x13] =	wrdreg s5;
	s5 =	simm.s32 $0x7620  }
.LBB2_1:
0x2e: {  	s18 =	rddreg [dreg:$0xb]  }
0x2f: {  	[tilespmem:s1], [sflag:$0x1] =	stream.linear.gather [hbm4b:s18+s1], $0x2710, $0x38;
	[tilespmem:$0x1FEA0] =	vst v63  }
0x30: {  	s21 =	rddreg [dreg:$0xc];
	s19 =	simm.s32 $0x2710;
	s20 =	sand.u32 $0xFE00, s1  }
0x31: {  	[tilespmem:s19], [sflag:$0x1] =	stream.linear.gather [hbm4b:s21+s1], $0x2710, $0x38;
	[tilespmem:$0x1FEA0] =	vst v63  }
0x32: {  	s20 =	sshrl.u32 s20, $0x2;
	s21 =	sand.u32 $0x70, s1  }
0x33: {  	s18 =	simm.s32 $0x40;
	s19 =	simm.s32 $0x0;
	s20 =	sor.u32 s21, s20  }
.LBB2_2:
0x34: {  	p2 =	sne.s32 s18, $0x9FC0  }
0x35: {  	[tilespmem:s20+$0x4E20] =	vst v0;
	s19 =	sadd.s32 $0x10, s19;
	s20 =	smov.u32 s18;
	s18 =	sadd.s32 $0x40, s18  }
.Ltmp0:
0x36: {  	(pc) =	sbr.rel @p2 .LBB2_2-.Ltmp0, $4  }
0x37: {  	_ = 	snop  }
0x38: {  	s20 =	sand.u32 $0xFE00, s20  }
0x39: {  	s21 =	sand.u32 $0x70, s19;
	s20 =	sshrl.u32 s20, $0x2  }
0x3a: {  	s20 =	sor.u32 s21, s20  }
0x3b: {  	[tilespmem:s20+$0x4E20] =	vst v0;
	s18 =	rddreg [dreg:$0xe]  }
0x3c: {  	[spmem:s18] =	stream.linear.scatter [tilespmem:s0], [sflag:$0x2], $0x2800, $0x38;
	[tilespmem:$0x1FEA0] =	vst v63  }
0x3d: {  	s19 =	rddreg [dreg:$0xf]  }
0x3e: {  	[spmem:s19] =	stream.linear.scatter [tilespmem:s0], [sflag:$0x2], $0x2800, $0x38;
	[tilespmem:$0x1FEA0] =	vst v63  }
0x3f: {  	s20 =	rddreg [dreg:$0x10]  }
0x40: {  	[spmem:s20] =	stream.linear.scatter [tilespmem:s0], [sflag:$0x2], $0x2800, $0x38;
	[tilespmem:$0x1FEA0] =	vst v63  }
0x41: {  	s21 =	rddreg [dreg:$0x11]  }
0x42: {  	[spmem:s21] =	stream.linear.scatter [tilespmem:s0], [sflag:$0x2], $0x2800, $0x38;
	[tilespmem:$0x1FEA0] =	vst v63  }
0x43: {  	s19 =	rddreg [dreg:$0x12]  }
0x44: {  	[spmem:s19] =	stream.linear.scatter [tilespmem:s0], [sflag:$0x2], $0x2800, $0x38;
	[tilespmem:$0x1FEA0] =	vst v63  }
0x45: {  	s20 =	rddreg [dreg:$0x13]  }
0x46: {  	[spmem:s20] =	stream.linear.scatter [tilespmem:s0], [sflag:$0x2], $0x2800, $0x38;
	[tilespmem:$0x1FEA0] =	vst v63  }
0x47: {  	_ = 	snop  }
0x48: {  	[spmem:s22] =	stream.linear.scatter [tilespmem:s0], [sflag:$0x2], $0x2800, $0x38;
	[tilespmem:$0x1FEA0] =	vst v63  }
0x49: {  	s18 =	simm.s32 @!p0 $0x4E20  }
0x4a: {  	[spmem:s23] =	stream.linear.scatter @!p0 [tilespmem:s18], [sflag:$0x2], $0x2800, $0x38;
	[tilespmem:$0x1FEA0] =	vst v63  }
0x4b: {  	_ =	swait.ge [sflag:s2], $0x2800  }
0x4c: {  	[sflag:s2] =	ssyncset.done $0x0  }
0x4d: {  	[sflag:s2] =	ssyncadd.s32 $0xFFFFD800  }
0x4e: {  	_ =	swait.ge [sflag:s2], $0x2800  }
0x4f: {  	[sflag:s2] =	ssyncset.done $0x0  }
0x50: {  	[sflag:s2] =	ssyncadd.s32 $0xFFFFD800  }
0x51: {  	_ =	swait.ge [sflag:s2], $0x2800  }
0x52: {  	[sflag:s2] =	ssyncset.done $0x0  }
0x53: {  	[sflag:s2] =	ssyncadd.s32 $0xFFFFD800  }
0x54: {  	_ =	swait.ge [sflag:s2], $0x2800  }
0x55: {  	[sflag:s2] =	ssyncset.done $0x0  }
0x56: {  	[sflag:s2] =	ssyncadd.s32 $0xFFFFD800  }
0x57: {  	_ =	swait.ge [sflag:s2], $0x2800  }
0x58: {  	[sflag:s2] =	ssyncset.done $0x0  }
0x59: {  	[sflag:s2] =	ssyncadd.s32 $0xFFFFD800  }
0x5a: {  	_ =	swait.ge [sflag:s2], $0x2800  }
0x5b: {  	[sflag:s2] =	ssyncset.done $0x0  }
0x5c: {  	[sflag:s2] =	ssyncadd.s32 $0xFFFFD800  }
0x5d: {  	_ =	swait.ge [sflag:s2], $0x2800  }
0x5e: {  	[sflag:s2] =	ssyncset.done $0x0  }
0x5f: {  	s18 =	simm.s32 @!p1 $0x2;
	[sflag:s2] =	ssyncadd.s32 $0xFFFFD800  }
0x60: {  	_ =	swait.ge @!p1 [sflag:s18], $0x2800  }
0x61: {  	[sflag:s18] =	ssyncset.done @!p1 $0x0  }
0x62: {  	[sflag:s18] =	ssyncadd.s32 @!p1 $0xFFFFD800  }
0x63: {  	_ =	swait.ge [sflag:s3], $0x2710  }
0x64: {  	[sflag:s3] =	ssyncset.done $0x0  }
0x65: {  	[sflag:s3] =	ssyncadd.s32 $0xFFFFD8F0  }
0x66: {  	_ =	swait.ge [sflag:s3], $0x2710  }
0x67: {  	[sflag:s3] =	ssyncset.done $0x0  }
0x68: {  	[sflag:s3] =	ssyncadd.s32 $0xFFFFD8F0  }
0x69: {  	s21 =	simm.s32 $0x0;
	[bflag:$0x0] =	sbarrier.arrive $0xFFFF  }
0x6a: {  	[tilespmem:s0], [sflag:$0x3] =	stream.indirect.gather [hbm4b:s12+s4], $0x80, s21, s4, $0xb8;
	[tilespmem:$0x1FEA0] =	vst v63  }
0x6b: {  	_ = 	snop  }
0x6c: {  	[tilespmem:s5], [sflag:$0x4] =	stream.indirect.gather [hbm4b:s12+s4], $0x80, s4, s4, $0xb8;
	[tilespmem:$0x1FEA0] =	vst v63  }
0x6d: {  	s19 =	simm.s32 $0xA0  }
0x6e: {  	[tilespmem:s6], [sflag:$0x5] =	stream.indirect.gather [hbm4b:s12+s4], $0x80, s19, s4, $0xb8;
	[tilespmem:$0x1FEA0] =	vst v63  }
0x6f: {  	_ =	swait.ge [sflag:s7], $0x2800  }
0x70: {  	[sflag:s7] =	ssyncset.done $0x0  }
0x71: {  	s20 =	simm.s32 $0x2710;
	[sflag:s7] =	ssyncadd.s32 $0xFFFFD800  }
0x72: {  	[spmem:s9] =	stream.indirect.scatter.add.f32 [tilespmem:s0], [sflag:$0x6], $0x80, s20, s4, $0xb8;
	[tilespmem:$0x1FEA0] =	vst v63  }
0x73: {  	_ =	swait.ge [sflag:s10], $0x2800  }
0x74: {  	[sflag:s10] =	ssyncset.done $0x0  }
0x75: {  	s21 =	simm.s32 $0xF0;
	[sflag:s10] =	ssyncadd.s32 $0xFFFFD800  }
0x76: {  	[tilespmem:s0], [sflag:$0x3] =	stream.indirect.gather [hbm4b:s12+s4], $0x80, s21, s4, $0xb8;
	[tilespmem:$0x1FEA0] =	vst v63  }
0x77: {  	_ =	swait.ge [sflag:s11], $0x2800  }
0x78: {  	[sflag:s11] =	ssyncset.done $0x0  }
0x79: {  	s19 =	simm.s32 $0x2760;
	[sflag:s11] =	ssyncadd.s32 $0xFFFFD800  }
0x7a: {  	[spmem:s9] =	stream.indirect.scatter.add.f32 [tilespmem:s5], [sflag:$0x7], $0x80, s19, s4, $0xb8;
	[tilespmem:$0x1FEA0] =	vst v63  }
0x7b: {  	_ =	swait.ge [sflag:s13], $0x2800  }
0x7c: {  	[sflag:s13] =	ssyncset.done $0x0  }
0x7d: {  	s20 =	simm.s32 $0x140;
	[sflag:s13] =	ssyncadd.s32 $0xFFFFD800  }
0x7e: {  	[tilespmem:s5], [sflag:$0x4] =	stream.indirect.gather [hbm4b:s12+s4], $0x80, s20, s4, $0xb8;
	[tilespmem:$0x1FEA0] =	vst v63  }
0x7f: {  	_ =	swait.ge [sflag:s14], $0x2800  }
0x80: {  	[sflag:s14] =	ssyncset.done $0x0  }
0x81: {  	s21 =	simm.s32 $0x27B0;
	[sflag:s14] =	ssyncadd.s32 $0xFFFFD800  }
0x82: {  	[spmem:s9] =	stream.indirect.scatter.add.f32 [tilespmem:s6], [sflag:$0x8], $0x80, s21, s4, $0xb8;
	[tilespmem:$0x1FEA0] =	vst v63  }
0x83: {  	_ =	swait.ge [sflag:s15], $0x2800  }
0x84: {  	[sflag:s15] =	ssyncset.done $0x0  }
0x85: {  	s18 =	simm.s32 $0x3C0;
	s19 =	simm.s32 $0x190;
	[sflag:s15] =	ssyncadd.s32 $0xFFFFD800  }
.LBB2_4:
0x86: {  	[tilespmem:s6], [sflag:$0x5] =	stream.indirect.gather [hbm4b:s12+s4], $0x80, s19, s4, $0xb8;
	[tilespmem:$0x1FEA0] =	vst v63  }
0x87: {  	s19 =	smov.u32 s18  }
0x88: {  	p2 =	sne.s32 s18, $0x9240;
	s18 =	sadd.s32 $0x3C0, s18;
	_ =	swait.ge [sflag:s7], $0x2800  }
0x89: {  	s19 =	sshra.s32 s19, $0x2;
	[sflag:s7] =	ssyncset.done $0x0  }
0x8a: {  	s20 =	sadd.s32 $0x2710, s19;
	[sflag:s7] =	ssyncadd.s32 $0xFFFFD800  }
0x8b: {  	[spmem:s9] =	stream.indirect.scatter.add.f32 [tilespmem:s0], [sflag:$0x6], $0x80, s20, s4, $0xb8;
	[tilespmem:$0x1FEA0] =	vst v63  }
0x8c: {  	_ =	swait.ge [sflag:s10], $0x2800  }
0x8d: {  	[sflag:s10] =	ssyncset.done $0x0  }
0x8e: {  	s20 =	sadd.s32 $0xF0, s19;
	[sflag:s10] =	ssyncadd.s32 $0xFFFFD800  }
0x8f: {  	[tilespmem:s0], [sflag:$0x3] =	stream.indirect.gather [hbm4b:s12+s4], $0x80, s20, s4, $0xb8;
	[tilespmem:$0x1FEA0] =	vst v63  }
0x90: {  	_ =	swait.ge [sflag:s11], $0x2800  }
0x91: {  	[sflag:s11] =	ssyncset.done $0x0  }
0x92: {  	s20 =	sadd.s32 $0x2760, s19;
	[sflag:s11] =	ssyncadd.s32 $0xFFFFD800  }
0x93: {  	[spmem:s9] =	stream.indirect.scatter.add.f32 [tilespmem:s5], [sflag:$0x7], $0x80, s20, s4, $0xb8;
	[tilespmem:$0x1FEA0] =	vst v63  }
0x94: {  	_ =	swait.ge [sflag:s13], $0x2800  }
0x95: {  	[sflag:s13] =	ssyncset.done $0x0  }
0x96: {  	s20 =	sadd.s32 $0x140, s19;
	[sflag:s13] =	ssyncadd.s32 $0xFFFFD800  }
0x97: {  	[tilespmem:s5], [sflag:$0x4] =	stream.indirect.gather [hbm4b:s12+s4], $0x80, s20, s4, $0xb8;
	[tilespmem:$0x1FEA0] =	vst v63  }
0x98: {  	_ =	swait.ge [sflag:s14], $0x2800  }
0x99: {  	[sflag:s14] =	ssyncset.done $0x0  }
.Ltmp1:
0x9a: {  	s20 =	sadd.s32 $0x27B0, s19;
	[sflag:s14] =	ssyncadd.s32 $0xFFFFD800;
	(pc) =	sbr.rel @p2 .LBB2_4-.Ltmp1, $4  }
0x9b: {  	[spmem:s9] =	stream.indirect.scatter.add.f32 [tilespmem:s6], [sflag:$0x8], $0x80, s20, s4, $0xb8;
	[tilespmem:$0x1FEA0] =	vst v63  }
0x9c: {  	_ =	swait.ge [sflag:s15], $0x2800  }
0x9d: {  	[sflag:s15] =	ssyncset.done $0x0  }
0x9e: {  	s19 =	sadd.s32 $0x190, s19;
	[sflag:s15] =	ssyncadd.s32 $0xFFFFD800  }
0x9f: {  	[tilespmem:s6], [sflag:$0x5] =	stream.indirect.gather [hbm4b:s12+s4], $0x80, s19, s4, $0xb8;
	[tilespmem:$0x1FEA0] =	vst v63  }
0xa0: {  	_ =	swait.ge [sflag:s7], $0x2800  }
0xa1: {  	[sflag:s7] =	ssyncset.done $0x0  }
0xa2: {  	s18 =	simm.s32 $0x4C90;
	[sflag:s7] =	ssyncadd.s32 $0xFFFFD800  }
0xa3: {  	[spmem:s9] =	stream.indirect.scatter.add.f32 [tilespmem:s0], [sflag:$0x6], $0x80, s18, s4, $0xb8;
	[tilespmem:$0x1FEA0] =	vst v63  }
0xa4: {  	_ =	swait.ge [sflag:s10], $0x2800  }
0xa5: {  	[sflag:s10] =	ssyncset.done $0x0  }
0xa6: {  	s19 =	simm.s32 $0x2670;
	[sflag:s10] =	ssyncadd.s32 $0xFFFFD800  }
0xa7: {  	[tilespmem:s0], [sflag:$0x3] =	stream.indirect.gather [hbm4b:s12+s4], $0x80, s19, s4, $0xb8;
	[tilespmem:$0x1FEA0] =	vst v63  }
0xa8: {  	_ =	swait.ge [sflag:s11], $0x2800  }
0xa9: {  	[sflag:s11] =	ssyncset.done $0x0  }
0xaa: {  	s20 =	simm.s32 $0x4CE0;
	[sflag:s11] =	ssyncadd.s32 $0xFFFFD800  }
0xab: {  	[spmem:s9] =	stream.indirect.scatter.add.f32 [tilespmem:s5], [sflag:$0x7], $0x80, s20, s4, $0xb8;
	[tilespmem:$0x1FEA0] =	vst v63  }
0xac: {  	_ =	swait.ge [sflag:s13], $0x2800  }
0xad: {  	[sflag:s13] =	ssyncset.done $0x0  }
0xae: {  	s21 =	simm.s32 $0x26C0;
	[sflag:s13] =	ssyncadd.s32 $0xFFFFD800  }
0xaf: {  	[tilespmem:s5], [sflag:$0x4] =	stream.indirect.gather [hbm4b:s12+s4], $0x80, s21, s4, $0xb8;
	[tilespmem:$0x1FEA0] =	vst v63  }
0xb0: {  	_ =	swait.ge [sflag:s14], $0x2800  }
0xb1: {  	[sflag:s14] =	ssyncset.done $0x0  }
0xb2: {  	s19 =	simm.s32 $0x4D30;
	[sflag:s14] =	ssyncadd.s32 $0xFFFFD800  }
0xb3: {  	[spmem:s9] =	stream.indirect.scatter.add.f32 [tilespmem:s6], [sflag:$0x8], $0x80, s19, s4, $0xb8;
	[tilespmem:$0x1FEA0] =	vst v63  }
0xb4: {  	_ =	swait.ge [sflag:s15], $0x2800  }
0xb5: {  	[sflag:s15] =	ssyncset.done $0x0  }
0xb6: {  	[sflag:s15] =	ssyncadd.s32 $0xFFFFD800  }
0xb7: {  	_ =	swait.ge [sflag:s7], $0x2800  }
0xb8: {  	[sflag:s7] =	ssyncset.done $0x0  }
0xb9: {  	s20 =	simm.s32 $0x4D80;
	[sflag:s7] =	ssyncadd.s32 $0xFFFFD800  }
0xba: {  	[spmem:s9] =	stream.indirect.scatter.add.f32 [tilespmem:s0], [sflag:$0x9], $0x80, s20, s4, $0xb8;
	[tilespmem:$0x1FEA0] =	vst v63  }
0xbb: {  	_ =	swait.ge [sflag:s16], $0x2800  }
0xbc: {  	[sflag:s16] =	ssyncset.done $0x0  }
0xbd: {  	[sflag:s16] =	ssyncadd.s32 $0xFFFFD800  }
0xbe: {  	_ =	swait.ge [sflag:s11], $0x2800  }
0xbf: {  	[sflag:s11] =	ssyncset.done $0x0  }
0xc0: {  	s21 =	simm.s32 $0x4DD0;
	[sflag:s11] =	ssyncadd.s32 $0xFFFFD800  }
0xc1: {  	[spmem:s9] =	stream.indirect.scatter.add.f32 [tilespmem:s5], [sflag:$0x9], $0x80, s21, s4, $0xb8;
	[tilespmem:$0x1FEA0] =	vst v63  }
0xc2: {  	_ =	swait.ge [sflag:s16], $0x2800  }
0xc3: {  	[sflag:s16] =	ssyncset.done $0x0  }
0xc4: {  	s19 =	stileid.u32;
	[sflag:s16] =	ssyncadd.s32 $0xFFFFD800  }
0xc5: {  	s18 =	sshll.u32 s19, $0x6;
	[bflag:$0x0] =	sbarrier.arrive $0xFFFF  }
0xc6: {  	s18 =	sor.u32 $0x1C02, s18;
	s20 =	rddreg [dreg:$0x3]  }
0xc7: {  	[hbm:s20], [sflag:s18] =	dma.local [spmem:s24], $0x500  }
0xc8: {  	s19 =	rddreg [dreg:$0x4]  }
0xc9: {  	[hbm:s19], [sflag:s18] =	dma.local [spmem:s25], $0x500  }
0xca: {  	s19 =	rddreg [dreg:$0x5]  }
0xcb: {  	[hbm:s19], [sflag:s18] =	dma.local [spmem:s26], $0x500  }
0xcc: {  	s19 =	rddreg [dreg:$0x6]  }
0xcd: {  	[hbm:s19], [sflag:s18] =	dma.local [spmem:s28], $0x500  }
0xce: {  	s19 =	rddreg [dreg:$0x7]  }
0xcf: {  	[hbm:s19], [sflag:s18] =	dma.local [spmem:s29], $0x500  }
0xd0: {  	s19 =	rddreg [dreg:$0x8]  }
0xd1: {  	[hbm:s19], [sflag:s18] =	dma.local [spmem:s30], $0x500  }
0xd2: {  	s19 =	rddreg [dreg:$0x9]  }
0xd3: {  	[hbm:s19], [sflag:s18] =	dma.local [spmem:s31], $0x500  }
0xd4: {  	s19 =	rddreg [dreg:$0xa]  }
0xd5: {  	[hbm:s19], [sflag:s18] =	dma.local @!p0 [spmem:s8], $0x500  }
0xd6: {  	_ =	swait.ge [sflag:s2], $0x500  }
0xd7: {  	[sflag:s2] =	ssyncset.done $0x0  }
0xd8: {  	[sflag:s2] =	ssyncadd.s32 $0xFFFFFB00  }
0xd9: {  	_ =	swait.ge [sflag:s2], $0x500  }
0xda: {  	[sflag:s2] =	ssyncset.done $0x0  }
0xdb: {  	[sflag:s2] =	ssyncadd.s32 $0xFFFFFB00  }
0xdc: {  	_ =	swait.ge [sflag:s2], $0x500  }
0xdd: {  	[sflag:s2] =	ssyncset.done $0x0  }
0xde: {  	[sflag:s2] =	ssyncadd.s32 $0xFFFFFB00  }
0xdf: {  	_ =	swait.ge [sflag:s2], $0x500  }
0xe0: {  	[sflag:s2] =	ssyncset.done $0x0  }
0xe1: {  	[sflag:s2] =	ssyncadd.s32 $0xFFFFFB00  }
0xe2: {  	_ =	swait.ge [sflag:s2], $0x500  }
0xe3: {  	[sflag:s2] =	ssyncset.done $0x0  }
0xe4: {  	[sflag:s2] =	ssyncadd.s32 $0xFFFFFB00  }
0xe5: {  	_ =	swait.ge [sflag:s2], $0x500  }
0xe6: {  	[sflag:s2] =	ssyncset.done $0x0  }
0xe7: {  	[sflag:s2] =	ssyncadd.s32 $0xFFFFFB00  }
0xe8: {  	_ =	swait.ge [sflag:s2], $0x500  }
0xe9: {  	[sflag:s2] =	ssyncset.done $0x0  }
0xea: {  	s18 =	simm.s32 @!p1 $0x2;
	[sflag:s2] =	ssyncadd.s32 $0xFFFFFB00  }
0xeb: {  	_ =	swait.ge @!p1 [sflag:s18], $0x500  }
0xec: {  	s17 =	sadd.s32 $0x1, s17;
	s21 =	rddreg [dreg:$0xd]  }
0xed: {  	p2 =	sne.s32 s17, s21  }
.Ltmp2:
0xee: {  	_ = 	snop;
	(pc) =	sbr.rel @p2 .LBB2_1-.Ltmp2, $3  }
0xef: {  	_ =	sdelay $0x1  }
0xf0: {  	[sflag:s18] =	ssyncset.done @!p1 $0x0  }
0xf1: {  	[sflag:s18] =	ssyncadd.s32 @!p1 $0xFFFFFB00  }
0xf2: {  	_ =	sfence.sel $0x180000  }
0xf3: {  	[bflag:$0x0] =	sbarrier.arrive $0xFFFF  }
0xf4: {  	_ =	strace $0x9000004A  }
0xf5: {  	s0 =	stileid.u32;
	[bflag:$0x2] =	sbarrier.arrive $0xFFFF  }
0xf6: {  	p0 =	sne.s32 s0, $0x0;
	s0 =	rddreg [dreg:$0x2]  }
0xf7: {  	s0 =	sadd.s32 @!p0 $0x100000, s0  }
0xf8: {  	[sflag:s0] =	ssyncadd.tile.s32 @!p0 $0x1;
	_ =	shalt  }
.Lfunc_end2:
_tile_overlayer_lowered:
.L_overlay_start_2:
0xf9: {  	(tag) =	ssettag $0x2  }
0xfa: {  	s0 =	rddreg [dreg:$0x0];
	s2 =	stileid.u32  }
0xfb: {  	s1 =	rddreg [dreg:$0x1];
	p0 =	sne.s32 s2, $0x0  }
0xfc: {  	s3 =	rddreg [dreg:$0x2];
	[bflag:$0x3] =	sbarrier.arrive $0xFFFF;
	s2 =	simm.s32 @!p0 $0x1C09  }
0xfd: {  	[timem:s3], [sflag:s2] =	dma.local @!p0 [hbm:s0], s1  }
0xfe: {  	s0 =	simm.s32 @!p0 $0x9  }
0xff: {  	_ =	swait.ge @!p0 [sflag:s0], s1  }
0x100: {  	s1 =	ssub.s32 @!p0 $0x0, s1;
	[sflag:s0] =	ssyncset.done @!p0 $0x0  }
0x101: {  	[sflag:s0] =	ssyncadd.s32 @!p0 s1  }
0x102: {  	[bflag:$0x3] =	sbarrier.arrive $0xFFFF  }
0x103: {  	_ =	shalt  }

</sc_bundles>
